<compile_context>
chip_gen: v7x
topology: tpu7x:2x2x1
jax: 0.10.2.dev20260603
libtpu: 0.0.44.dev20260713+nightly
codegen_flags: <defaults>
</compile_context>

<pallas_src>
import functools

import jax
import jax.numpy as jnp
from jax import lax
from jax.experimental import pallas as pl
from jax.experimental.pallas import tpu as pltpu
from jax.experimental.pallas import tpu_sc as plsc

_EMB = 128
_BATCH = 16384
_VOCAB = 3

_INFO = plsc.get_sparse_core_info()
_NC = _INFO.num_cores
_NS = _INFO.num_subcores
_NW = _NC * _NS
_BPW = _BATCH // _NW
_L = _INFO.num_lanes
_NCHW = _EMB // _L
_GSZ = _L * _EMB
_NGRP = _BPW // _L

_mesh = plsc.VectorSubcoreMesh(core_axis_name="c", subcore_axis_name="s")


@functools.partial(
    pl.kernel,
    mesh=_mesh,
    compiler_params=pltpu.CompilerParams(needs_layout_passes=False),
    out_type=jax.ShapeDtypeStruct((_BATCH * _EMB,), jnp.float32),
    scratch_types=[
        pltpu.VMEM((_BPW,), jnp.int32),
        pltpu.VMEM((_VOCAB * _EMB,), jnp.float32),
        pltpu.VMEM((_BPW * _EMB,), jnp.float32),
        pltpu.SemaphoreType.DMA,
        pltpu.SemaphoreType.DMA,
    ],
)
def _embed_lookup(idx_hbm, table_hbm, out_hbm, idx_v, table_v, out_v, sem_in, sem_out):
    wid = lax.axis_index("s") * _NC + lax.axis_index("c")
    cp_idx = pltpu.async_copy(idx_hbm.at[wid], idx_v, sem_in)
    cp_tab = pltpu.async_copy(table_hbm, table_v, sem_in)
    cp_idx.wait()
    cp_tab.wait()

    rows = [
        [table_v[pl.ds(k * _EMB + c * _L, _L)] for c in range(_NCHW)]
        for k in range(_VOCAB)
    ]
    out_base = wid * (_BPW * _EMB)

    @plsc.parallel_loop(0, _NGRP, unroll=1)
    def _group(g):
        vidx = idx_v[pl.ds(g * _L, _L)]
        gbase = g * _GSZ
        for j in range(_L):
            vb = jnp.take_along_axis(
                vidx, jnp.full((_L,), j, jnp.int32), axis=0,
                mode="promise_in_bounds",
            )
            m0 = vb == 0
            m1 = vb == 1
            base = gbase + j * _EMB
            for c in range(_NCHW):
                val = jnp.where(m0, rows[0][c],
                                jnp.where(m1, rows[1][c], rows[2][c]))
                out_v[pl.ds(base + c * _L, _L)] = val
        pltpu.async_copy(
            out_v.at[pl.ds(gbase, _GSZ)],
            out_hbm.at[pl.ds(out_base + gbase, _GSZ)],
            sem_out,
        )

    pltpu.make_async_copy(
        out_hbm.at[pl.ds(out_base, _BPW * _EMB)], out_v, sem_out
    ).wait()


def kernel(x, table):
    idx = x.reshape(_NW, _BPW).astype(jnp.int32)
    flat = _embed_lookup(idx, table.reshape(_VOCAB * _EMB))
    return flat.reshape(_BATCH, _EMB)

# --- scband reference (transcript-rebuilt; emitter-appended) ---
"""Pipeline reference for scband-c2-cedge-encoder-37941741093447 (READ-ONLY COPY).

The authoritative reference and input builder live on the scoring server;
editing this copy changes nothing except your own understanding.
"""

import jax, jax.numpy as jnp
import numpy as np

EMB_DIM = 128
VOCAB = 3
BATCH = 16384

def setup_inputs(seed: int = 0) -> dict:
    key = jax.random.key(seed)
    k1, k2 = jax.random.split(key)
    x = jax.random.randint(k1, (BATCH, 1), 0, VOCAB, dtype=jnp.int64 if jax.config.jax_enable_x64 else jnp.int32)
    table = jax.random.normal(k2, (VOCAB, EMB_DIM), dtype=jnp.float32)
    return {"x": x, "table": table}

def reference(x, table):
    # x: [B, 1] int -> squeeze(1) -> [B]; embedding lookup -> [B, EMB_DIM]
    idx = jnp.squeeze(x, axis=1)
    return jnp.take(table, idx, axis=0)

if __name__ == "__main__":
    import jax
    _d = setup_inputs()
    print(jax.jit(kernel)(*tuple(_d.values())))

</pallas_src>

<mosaic_0001>
#map = affine_map<(d0, d1) -> (0, 0)>
#map1 = affine_map<(d0, d1) -> (0)>
module attributes {stable_mosaic.version = 14 : i64} {
  func.func @_embed_lookup(%arg0: i32, %arg1: i32, %arg2: memref<32x512xi32, #tpu.memory_space<hbm>>, %arg3: memref<384xf32, #tpu.memory_space<hbm>>, %arg4: memref<2097152xf32, #tpu.memory_space<hbm>>, %arg5: memref<512xi32, #tpu.memory_space<vmem>>, %arg6: memref<384xf32, #tpu.memory_space<vmem>>, %arg7: memref<65536xf32, #tpu.memory_space<vmem>>, %arg8: memref<!tpu.dma_semaphore, #tpu.memory_space<semaphore_mem>>, %arg9: memref<!tpu.dma_semaphore, #tpu.memory_space<semaphore_mem>>) attributes {dimension_semantics = [#tpu.dimension_semantics<core_parallel>, #tpu.dimension_semantics<subcore_parallel>], iteration_bounds = array<i64: 2, 16>, scalar_prefetch = 0 : i64, scratch_operands = 5 : i64, tpu.core_type = #tpu.core_type<sc_vector_subcore>, window_params = [{transform_indices = #map}, {transform_indices = #map1}, {transform_indices = #map1}]} {
    %mul3A = arith.constant 2 : i32
    %mul3A_0 = arith.muli %arg1, %mul3A : i32
    %add3A = arith.addi %mul3A_0, %arg0 : i32
    %dma_start3A = arith.constant 0 : i32
    %dma_start3A_1 = tpu.memref_slice %arg2[%add3A, %dma_start3A] : memref<32x512xi32, #tpu.memory_space<hbm>> -> memref<1x512xi32, #tpu.memory_space<hbm>>
    %dma_start3A_2 = tpu.memref_squeeze %dma_start3A_1 : memref<1x512xi32, #tpu.memory_space<hbm>> -> memref<512xi32, #tpu.memory_space<hbm>>
    %dma_start3A_3 = arith.constant 0 : i32
    %dma_start3A_4 = tpu.memref_slice %arg2[%add3A, %dma_start3A_3] : memref<32x512xi32, #tpu.memory_space<hbm>> -> memref<1x512xi32, #tpu.memory_space<hbm>>
    %dma_start3A_5 = tpu.memref_squeeze %dma_start3A_4 : memref<1x512xi32, #tpu.memory_space<hbm>> -> memref<512xi32, #tpu.memory_space<hbm>>
    tpu.enqueue_dma source(%dma_start3A_5 : memref<512xi32, #tpu.memory_space<hbm>>) target(%arg5 : memref<512xi32, #tpu.memory_space<vmem>>) target_semaphore(%arg8 : memref<!tpu.dma_semaphore, #tpu.memory_space<semaphore_mem>>)
    tpu.enqueue_dma source(%arg3 : memref<384xf32, #tpu.memory_space<hbm>>) target(%arg6 : memref<384xf32, #tpu.memory_space<vmem>>) target_semaphore(%arg8 : memref<!tpu.dma_semaphore, #tpu.memory_space<semaphore_mem>>)
    %dma_wait3A = arith.constant 0 : i32
    %dma_wait3A_6 = tpu.memref_slice %arg2[%add3A, %dma_wait3A] : memref<32x512xi32, #tpu.memory_space<hbm>> -> memref<1x512xi32, #tpu.memory_space<hbm>>
    %dma_wait3A_7 = tpu.memref_squeeze %dma_wait3A_6 : memref<1x512xi32, #tpu.memory_space<hbm>> -> memref<512xi32, #tpu.memory_space<hbm>>
    %dma_wait3A_8 = arith.constant 0 : i32
    %dma_wait3A_9 = tpu.memref_slice %arg2[%add3A, %dma_wait3A_8] : memref<32x512xi32, #tpu.memory_space<hbm>> -> memref<1x512xi32, #tpu.memory_space<hbm>>
    %dma_wait3A_10 = tpu.memref_squeeze %dma_wait3A_9 : memref<1x512xi32, #tpu.memory_space<hbm>> -> memref<512xi32, #tpu.memory_space<hbm>>
    tpu.wait_dma2 semaphore(%arg8 : memref<!tpu.dma_semaphore, #tpu.memory_space<semaphore_mem>>) src(%dma_wait3A_10 : memref<512xi32, #tpu.memory_space<hbm>>) dst(%arg5 : memref<512xi32, #tpu.memory_space<vmem>>)
    tpu.wait_dma2 semaphore(%arg8 : memref<!tpu.dma_semaphore, #tpu.memory_space<semaphore_mem>>) src(%arg3 : memref<384xf32, #tpu.memory_space<hbm>>) dst(%arg6 : memref<384xf32, #tpu.memory_space<vmem>>)
    %get3A = arith.constant 0 : index
    %get3A_11 = tpu.vector_load %arg6[%get3A] {strides = array<i32>} : memref<384xf32, #tpu.memory_space<vmem>>, vector<16xf32>,
    %get3A_12 = arith.constant 16 : index
    %get3A_13 = tpu.vector_load %arg6[%get3A_12] {strides = array<i32>} : memref<384xf32, #tpu.memory_space<vmem>>, vector<16xf32>,
    %get3A_14 = arith.constant 32 : index
    %get3A_15 = tpu.vector_load %arg6[%get3A_14] {strides = array<i32>} : memref<384xf32, #tpu.memory_space<vmem>>, vector<16xf32>,
    %get3A_16 = arith.constant 48 : index
    %get3A_17 = tpu.vector_load %arg6[%get3A_16] {strides = array<i32>} : memref<384xf32, #tpu.memory_space<vmem>>, vector<16xf32>,
    %get3A_18 = arith.constant 64 : index
    %get3A_19 = tpu.vector_load %arg6[%get3A_18] {strides = array<i32>} : memref<384xf32, #tpu.memory_space<vmem>>, vector<16xf32>,
    %get3A_20 = arith.constant 80 : index
    %get3A_21 = tpu.vector_load %arg6[%get3A_20] {strides = array<i32>} : memref<384xf32, #tpu.memory_space<vmem>>, vector<16xf32>,
    %get3A_22 = arith.constant 96 : index
    %get3A_23 = tpu.vector_load %arg6[%get3A_22] {strides = array<i32>} : memref<384xf32, #tpu.memory_space<vmem>>, vector<16xf32>,
    %get3A_24 = arith.constant 112 : index
    %get3A_25 = tpu.vector_load %arg6[%get3A_24] {strides = array<i32>} : memref<384xf32, #tpu.memory_space<vmem>>, vector<16xf32>,
    %get3A_26 = arith.constant 128 : index
    %get3A_27 = tpu.vector_load %arg6[%get3A_26] {strides = array<i32>} : memref<384xf32, #tpu.memory_space<vmem>>, vector<16xf32>,
    %get3A_28 = arith.constant 144 : index
    %get3A_29 = tpu.vector_load %arg6[%get3A_28] {strides = array<i32>} : memref<384xf32, #tpu.memory_space<vmem>>, vector<16xf32>,
    %get3A_30 = arith.constant 160 : index
    %get3A_31 = tpu.vector_load %arg6[%get3A_30] {strides = array<i32>} : memref<384xf32, #tpu.memory_space<vmem>>, vector<16xf32>,
    %get3A_32 = arith.constant 176 : index
    %get3A_33 = tpu.vector_load %arg6[%get3A_32] {strides = array<i32>} : memref<384xf32, #tpu.memory_space<vmem>>, vector<16xf32>,
    %get3A_34 = arith.constant 192 : index
    %get3A_35 = tpu.vector_load %arg6[%get3A_34] {strides = array<i32>} : memref<384xf32, #tpu.memory_space<vmem>>, vector<16xf32>,
    %get3A_36 = arith.constant 208 : index
    %get3A_37 = tpu.vector_load %arg6[%get3A_36] {strides = array<i32>} : memref<384xf32, #tpu.memory_space<vmem>>, vector<16xf32>,
    %get3A_38 = arith.constant 224 : index
    %get3A_39 = tpu.vector_load %arg6[%get3A_38] {strides = array<i32>} : memref<384xf32, #tpu.memory_space<vmem>>, vector<16xf32>,
    %get3A_40 = arith.constant 240 : index
    %get3A_41 = tpu.vector_load %arg6[%get3A_40] {strides = array<i32>} : memref<384xf32, #tpu.memory_space<vmem>>, vector<16xf32>,
    %get3A_42 = arith.constant 256 : index
    %get3A_43 = tpu.vector_load %arg6[%get3A_42] {strides = array<i32>} : memref<384xf32, #tpu.memory_space<vmem>>, vector<16xf32>,
    %get3A_44 = arith.constant 272 : index
    %get3A_45 = tpu.vector_load %arg6[%get3A_44] {strides = array<i32>} : memref<384xf32, #tpu.memory_space<vmem>>, vector<16xf32>,
    %get3A_46 = arith.constant 288 : index
    %get3A_47 = tpu.vector_load %arg6[%get3A_46] {strides = array<i32>} : memref<384xf32, #tpu.memory_space<vmem>>, vector<16xf32>,
    %get3A_48 = arith.constant 304 : index
    %get3A_49 = tpu.vector_load %arg6[%get3A_48] {strides = array<i32>} : memref<384xf32, #tpu.memory_space<vmem>>, vector<16xf32>,
    %get3A_50 = arith.constant 320 : index
    %get3A_51 = tpu.vector_load %arg6[%get3A_50] {strides = array<i32>} : memref<384xf32, #tpu.memory_space<vmem>>, vector<16xf32>,
    %get3A_52 = arith.constant 336 : index
    %get3A_53 = tpu.vector_load %arg6[%get3A_52] {strides = array<i32>} : memref<384xf32, #tpu.memory_space<vmem>>, vector<16xf32>,
    %get3A_54 = arith.constant 352 : index
    %get3A_55 = tpu.vector_load %arg6[%get3A_54] {strides = array<i32>} : memref<384xf32, #tpu.memory_space<vmem>>, vector<16xf32>,
    %get3A_56 = arith.constant 368 : index
    %get3A_57 = tpu.vector_load %arg6[%get3A_56] {strides = array<i32>} : memref<384xf32, #tpu.memory_space<vmem>>, vector<16xf32>,
    %mul3A_58 = arith.constant 65536 : i32
    %mul3A_59 = arith.muli %add3A, %mul3A_58 : i32
    %parallel_loop3A = arith.constant 0 : i32
    %parallel_loop3A_60 = arith.constant 32 : i32
    %parallel_loop3A_61 = arith.constant 1 : i32
    scf.for %parallel_loop3A_64 = %parallel_loop3A to %parallel_loop3A_60 step %parallel_loop3A_61  : i32 {
      %parallel_loop3A_65 = arith.constant 16 : i32
      %parallel_loop3A_66 = arith.muli %parallel_loop3A_64, %parallel_loop3A_65 : i32
      %parallel_loop3A_67 = arith.index_cast %parallel_loop3A_66 : i32 to index
      %parallel_loop3A_68 = tpu.vector_load %arg5[%parallel_loop3A_67] {strides = array<i32>} : memref<512xi32, #tpu.memory_space<vmem>>, vector<16xi32>,
      %parallel_loop3A_69 = arith.constant 2048 : i32
      %parallel_loop3A_70 = arith.muli %parallel_loop3A_64, %parallel_loop3A_69 : i32
      %parallel_loop3A_71 = arith.constant 0 : i32
      %parallel_loop3A_72 = vector.broadcast %parallel_loop3A_71 : i32 to vector<16xi32>
      %parallel_loop3A_73 = vector.shape_cast %parallel_loop3A_72 : vector<16xi32> to vector<16x1xi32>
      %parallel_loop3A_74 = vector.shape_cast %parallel_loop3A_73 : vector<16x1xi32> to vector<16xi32>
      %parallel_loop3A_75 = tpu.dynamic_gather %parallel_loop3A_68[%parallel_loop3A_74] in [0] : vector<16xi32>, vector<16xi32> -> vector<16xi32>
      %parallel_loop3A_76 = arith.constant 0 : i32
      %parallel_loop3A_77 = vector.broadcast %parallel_loop3A_76 : i32 to vector<16xi32>
      %parallel_loop3A_78 = arith.cmpi eq, %parallel_loop3A_75, %parallel_loop3A_77 : vector<16xi32>
      %parallel_loop3A_79 = arith.constant 1 : i32
      %parallel_loop3A_80 = vector.broadcast %parallel_loop3A_79 : i32 to vector<16xi32>
      %parallel_loop3A_81 = arith.cmpi eq, %parallel_loop3A_75, %parallel_loop3A_80 : vector<16xi32>
      %parallel_loop3A_82 = arith.constant 0 : i32
      %parallel_loop3A_83 = arith.addi %parallel_loop3A_70, %parallel_loop3A_82 : i32
      %parallel_loop3A_84 = arith.select %parallel_loop3A_81, %get3A_27, %get3A_43 : vector<16xi1>, vector<16xf32>
      %parallel_loop3A_85 = arith.select %parallel_loop3A_78, %get3A_11, %parallel_loop3A_84 : vector<16xi1>, vector<16xf32>
      %parallel_loop3A_86 = arith.constant 0 : i32
      %parallel_loop3A_87 = arith.addi %parallel_loop3A_83, %parallel_loop3A_86 : i32
      %parallel_loop3A_88 = arith.index_cast %parallel_loop3A_87 : i32 to index
      %parallel_loop3A_89 = tpu.vector_load %arg7[%parallel_loop3A_88] {strides = array<i32>} : memref<65536xf32, #tpu.memory_space<vmem>>, vector<16xf32>,
      tpu.vector_store %arg7[%parallel_loop3A_88], %parallel_loop3A_85 {strides = array<i32>} : memref<65536xf32, #tpu.memory_space<vmem>>, vector<16xf32>,
      %parallel_loop3A_90 = arith.select %parallel_loop3A_81, %get3A_29, %get3A_45 : vector<16xi1>, vector<16xf32>
      %parallel_loop3A_91 = arith.select %parallel_loop3A_78, %get3A_13, %parallel_loop3A_90 : vector<16xi1>, vector<16xf32>
      %parallel_loop3A_92 = arith.constant 16 : i32
      %parallel_loop3A_93 = arith.addi %parallel_loop3A_83, %parallel_loop3A_92 : i32
      %parallel_loop3A_94 = arith.index_cast %parallel_loop3A_93 : i32 to index
      %parallel_loop3A_95 = tpu.vector_load %arg7[%parallel_loop3A_94] {strides = array<i32>} : memref<65536xf32, #tpu.memory_space<vmem>>, vector<16xf32>,
      tpu.vector_store %arg7[%parallel_loop3A_94], %parallel_loop3A_91 {strides = array<i32>} : memref<65536xf32, #tpu.memory_space<vmem>>, vector<16xf32>,
      %parallel_loop3A_96 = arith.select %parallel_loop3A_81, %get3A_31, %get3A_47 : vector<16xi1>, vector<16xf32>
      %parallel_loop3A_97 = arith.select %parallel_loop3A_78, %get3A_15, %parallel_loop3A_96 : vector<16xi1>, vector<16xf32>
      %parallel_loop3A_98 = arith.constant 32 : i32
      %parallel_loop3A_99 = arith.addi %parallel_loop3A_83, %parallel_loop3A_98 : i32
      %parallel_loop3A_100 = arith.index_cast %parallel_loop3A_99 : i32 to index
      %parallel_loop3A_101 = tpu.vector_load %arg7[%parallel_loop3A_100] {strides = array<i32>} : memref<65536xf32, #tpu.memory_space<vmem>>, vector<16xf32>,
      tpu.vector_store %arg7[%parallel_loop3A_100], %parallel_loop3A_97 {strides = array<i32>} : memref<65536xf32, #tpu.memory_space<vmem>>, vector<16xf32>,
      %parallel_loop3A_102 = arith.select %parallel_loop3A_81, %get3A_33, %get3A_49 : vector<16xi1>, vector<16xf32>
      %parallel_loop3A_103 = arith.select %parallel_loop3A_78, %get3A_17, %parallel_loop3A_102 : vector<16xi1>, vector<16xf32>
      %parallel_loop3A_104 = arith.constant 48 : i32
      %parallel_loop3A_105 = arith.addi %parallel_loop3A_83, %parallel_loop3A_104 : i32
      %parallel_loop3A_106 = arith.index_cast %parallel_loop3A_105 : i32 to index
      %parallel_loop3A_107 = tpu.vector_load %arg7[%parallel_loop3A_106] {strides = array<i32>} : memref<65536xf32, #tpu.memory_space<vmem>>, vector<16xf32>,
      tpu.vector_store %arg7[%parallel_loop3A_106], %parallel_loop3A_103 {strides = array<i32>} : memref<65536xf32, #tpu.memory_space<vmem>>, vector<16xf32>,
      %parallel_loop3A_108 = arith.select %parallel_loop3A_81, %get3A_35, %get3A_51 : vector<16xi1>, vector<16xf32>
      %parallel_loop3A_109 = arith.select %parallel_loop3A_78, %get3A_19, %parallel_loop3A_108 : vector<16xi1>, vector<16xf32>
      %parallel_loop3A_110 = arith.constant 64 : i32
      %parallel_loop3A_111 = arith.addi %parallel_loop3A_83, %parallel_loop3A_110 : i32
      %parallel_loop3A_112 = arith.index_cast %parallel_loop3A_111 : i32 to index
      %parallel_loop3A_113 = tpu.vector_load %arg7[%parallel_loop3A_112] {strides = array<i32>} : memref<65536xf32, #tpu.memory_space<vmem>>, vector<16xf32>,
      tpu.vector_store %arg7[%parallel_loop3A_112], %parallel_loop3A_109 {strides = array<i32>} : memref<65536xf32, #tpu.memory_space<vmem>>, vector<16xf32>,
      %parallel_loop3A_114 = arith.select %parallel_loop3A_81, %get3A_37, %get3A_53 : vector<16xi1>, vector<16xf32>
      %parallel_loop3A_115 = arith.select %parallel_loop3A_78, %get3A_21, %parallel_loop3A_114 : vector<16xi1>, vector<16xf32>
      %parallel_loop3A_116 = arith.constant 80 : i32
      %parallel_loop3A_117 = arith.addi %parallel_loop3A_83, %parallel_loop3A_116 : i32
      %parallel_loop3A_118 = arith.index_cast %parallel_loop3A_117 : i32 to index
      %parallel_loop3A_119 = tpu.vector_load %arg7[%parallel_loop3A_118] {strides = array<i32>} : memref<65536xf32, #tpu.memory_space<vmem>>, vector<16xf32>,
      tpu.vector_store %arg7[%parallel_loop3A_118], %parallel_loop3A_115 {strides = array<i32>} : memref<65536xf32, #tpu.memory_space<vmem>>, vector<16xf32>,
      %parallel_loop3A_120 = arith.select %parallel_loop3A_81, %get3A_39, %get3A_55 : vector<16xi1>, vector<16xf32>
      %parallel_loop3A_121 = arith.select %parallel_loop3A_78, %get3A_23, %parallel_loop3A_120 : vector<16xi1>, vector<16xf32>
      %parallel_loop3A_122 = arith.constant 96 : i32
      %parallel_loop3A_123 = arith.addi %parallel_loop3A_83, %parallel_loop3A_122 : i32
      %parallel_loop3A_124 = arith.index_cast %parallel_loop3A_123 : i32 to index
      %parallel_loop3A_125 = tpu.vector_load %arg7[%parallel_loop3A_124] {strides = array<i32>} : memref<65536xf32, #tpu.memory_space<vmem>>, vector<16xf32>,
      tpu.vector_store %arg7[%parallel_loop3A_124], %parallel_loop3A_121 {strides = array<i32>} : memref<65536xf32, #tpu.memory_space<vmem>>, vector<16xf32>,
      %parallel_loop3A_126 = arith.select %parallel_loop3A_81, %get3A_41, %get3A_57 : vector<16xi1>, vector<16xf32>
      %parallel_loop3A_127 = arith.select %parallel_loop3A_78, %get3A_25, %parallel_loop3A_126 : vector<16xi1>, vector<16xf32>
      %parallel_loop3A_128 = arith.constant 112 : i32
      %parallel_loop3A_129 = arith.addi %parallel_loop3A_83, %parallel_loop3A_128 : i32
      %parallel_loop3A_130 = arith.index_cast %parallel_loop3A_129 : i32 to index
      %parallel_loop3A_131 = tpu.vector_load %arg7[%parallel_loop3A_130] {strides = array<i32>} : memref<65536xf32, #tpu.memory_space<vmem>>, vector<16xf32>,
      tpu.vector_store %arg7[%parallel_loop3A_130], %parallel_loop3A_127 {strides = array<i32>} : memref<65536xf32, #tpu.memory_space<vmem>>, vector<16xf32>,
      %parallel_loop3A_132 = arith.constant 1 : i32
      %parallel_loop3A_133 = vector.broadcast %parallel_loop3A_132 : i32 to vector<16xi32>
      %parallel_loop3A_134 = vector.shape_cast %parallel_loop3A_133 : vector<16xi32> to vector<16x1xi32>
      %parallel_loop3A_135 = vector.shape_cast %parallel_loop3A_134 : vector<16x1xi32> to vector<16xi32>
      %parallel_loop3A_136 = tpu.dynamic_gather %parallel_loop3A_68[%parallel_loop3A_135] in [0] : vector<16xi32>, vector<16xi32> -> vector<16xi32>
      %parallel_loop3A_137 = arith.constant 0 : i32
      %parallel_loop3A_138 = vector.broadcast %parallel_loop3A_137 : i32 to vector<16xi32>
      %parallel_loop3A_139 = arith.cmpi eq, %parallel_loop3A_136, %parallel_loop3A_138 : vector<16xi32>
      %parallel_loop3A_140 = arith.constant 1 : i32
      %parallel_loop3A_141 = vector.broadcast %parallel_loop3A_140 : i32 to vector<16xi32>
      %parallel_loop3A_142 = arith.cmpi eq, %parallel_loop3A_136, %parallel_loop3A_141 : vector<16xi32>
      %parallel_loop3A_143 = arith.constant 128 : i32
      %parallel_loop3A_144 = arith.addi %parallel_loop3A_70, %parallel_loop3A_143 : i32
      %parallel_loop3A_145 = arith.select %parallel_loop3A_142, %get3A_27, %get3A_43 : vector<16xi1>, vector<16xf32>
      %parallel_loop3A_146 = arith.select %parallel_loop3A_139, %get3A_11, %parallel_loop3A_145 : vector<16xi1>, vector<16xf32>
      %parallel_loop3A_147 = arith.constant 0 : i32
      %parallel_loop3A_148 = arith.addi %parallel_loop3A_144, %parallel_loop3A_147 : i32
      %parallel_loop3A_149 = arith.index_cast %parallel_loop3A_148 : i32 to index
      %parallel_loop3A_150 = tpu.vector_load %arg7[%parallel_loop3A_149] {strides = array<i32>} : memref<65536xf32, #tpu.memory_space<vmem>>, vector<16xf32>,
      tpu.vector_store %arg7[%parallel_loop3A_149], %parallel_loop3A_146 {strides = array<i32>} : memref<65536xf32, #tpu.memory_space<vmem>>, vector<16xf32>,
      %parallel_loop3A_151 = arith.select %parallel_loop3A_142, %get3A_29, %get3A_45 : vector<16xi1>, vector<16xf32>
      %parallel_loop3A_152 = arith.select %parallel_loop3A_139, %get3A_13, %parallel_loop3A_151 : vector<16xi1>, vector<16xf32>
      %parallel_loop3A_153 = arith.constant 16 : i32
      %parallel_loop3A_154 = arith.addi %parallel_loop3A_144, %parallel_loop3A_153 : i32
      %parallel_loop3A_155 = arith.index_cast %parallel_loop3A_154 : i32 to index
      %parallel_loop3A_156 = tpu.vector_load %arg7[%parallel_loop3A_155] {strides = array<i32>} : memref<65536xf32, #tpu.memory_space<vmem>>, vector<16xf32>,
      tpu.vector_store %arg7[%parallel_loop3A_155], %parallel_loop3A_152 {strides = array<i32>} : memref<65536xf32, #tpu.memory_space<vmem>>, vector<16xf32>,
      %parallel_loop3A_157 = arith.select %parallel_loop3A_142, %get3A_31, %get3A_47 : vector<16xi1>, vector<16xf32>
      %parallel_loop3A_158 = arith.select %parallel_loop3A_139, %get3A_15, %parallel_loop3A_157 : vector<16xi1>, vector<16xf32>
      %parallel_loop3A_159 = arith.constant 32 : i32
      %parallel_loop3A_160 = arith.addi %parallel_loop3A_144, %parallel_loop3A_159 : i32
      %parallel_loop3A_161 = arith.index_cast %parallel_loop3A_160 : i32 to index
      %parallel_loop3A_162 = tpu.vector_load %arg7[%parallel_loop3A_161] {strides = array<i32>} : memref<65536xf32, #tpu.memory_space<vmem>>, vector<16xf32>,
      tpu.vector_store %arg7[%parallel_loop3A_161], %parallel_loop3A_158 {strides = array<i32>} : memref<65536xf32, #tpu.memory_space<vmem>>, vector<16xf32>,
      %parallel_loop3A_163 = arith.select %parallel_loop3A_142, %get3A_33, %get3A_49 : vector<16xi1>, vector<16xf32>
      %parallel_loop3A_164 = arith.select %parallel_loop3A_139, %get3A_17, %parallel_loop3A_163 : vector<16xi1>, vector<16xf32>
      %parallel_loop3A_165 = arith.constant 48 : i32
      %parallel_loop3A_166 = arith.addi %parallel_loop3A_144, %parallel_loop3A_165 : i32
      %parallel_loop3A_167 = arith.index_cast %parallel_loop3A_166 : i32 to index
      %parallel_loop3A_168 = tpu.vector_load %arg7[%parallel_loop3A_167] {strides = array<i32>} : memref<65536xf32, #tpu.memory_space<vmem>>, vector<16xf32>,
      tpu.vector_store %arg7[%parallel_loop3A_167], %parallel_loop3A_164 {strides = array<i32>} : memref<65536xf32, #tpu.memory_space<vmem>>, vector<16xf32>,
      %parallel_loop3A_169 = arith.select %parallel_loop3A_142, %get3A_35, %get3A_51 : vector<16xi1>, vector<16xf32>
      %parallel_loop3A_170 = arith.select %parallel_loop3A_139, %get3A_19, %parallel_loop3A_169 : vector<16xi1>, vector<16xf32>
      %parallel_loop3A_171 = arith.constant 64 : i32
      %parallel_loop3A_172 = arith.addi %parallel_loop3A_144, %parallel_loop3A_171 : i32
      %parallel_loop3A_173 = arith.index_cast %parallel_loop3A_172 : i32 to index
      %parallel_loop3A_174 = tpu.vector_load %arg7[%parallel_loop3A_173] {strides = array<i32>} : memref<65536xf32, #tpu.memory_space<vmem>>, vector<16xf32>,
      tpu.vector_store %arg7[%parallel_loop3A_173], %parallel_loop3A_170 {strides = array<i32>} : memref<65536xf32, #tpu.memory_space<vmem>>, vector<16xf32>,
      %parallel_loop3A_175 = arith.select %parallel_loop3A_142, %get3A_37, %get3A_53 : vector<16xi1>, vector<16xf32>
      %parallel_loop3A_176 = arith.select %parallel_loop3A_139, %get3A_21, %parallel_loop3A_175 : vector<16xi1>, vector<16xf32>
      %parallel_loop3A_177 = arith.constant 80 : i32
      %parallel_loop3A_178 = arith.addi %parallel_loop3A_144, %parallel_loop3A_177 : i32
      %parallel_loop3A_179 = arith.index_cast %parallel_loop3A_178 : i32 to index
      %parallel_loop3A_180 = tpu.vector_load %arg7[%parallel_loop3A_179] {strides = array<i32>} : memref<65536xf32, #tpu.memory_space<vmem>>, vector<16xf32>,
      tpu.vector_store %arg7[%parallel_loop3A_179], %parallel_loop3A_176 {strides = array<i32>} : memref<65536xf32, #tpu.memory_space<vmem>>, vector<16xf32>,
      %parallel_loop3A_181 = arith.select %parallel_loop3A_142, %get3A_39, %get3A_55 : vector<16xi1>, vector<16xf32>
      %parallel_loop3A_182 = arith.select %parallel_loop3A_139, %get3A_23, %parallel_loop3A_181 : vector<16xi1>, vector<16xf32>
      %parallel_loop3A_183 = arith.constant 96 : i32
      %parallel_loop3A_184 = arith.addi %parallel_loop3A_144, %parallel_loop3A_183 : i32
      %parallel_loop3A_185 = arith.index_cast %parallel_loop3A_184 : i32 to index
      %parallel_loop3A_186 = tpu.vector_load %arg7[%parallel_loop3A_185] {strides = array<i32>} : memref<65536xf32, #tpu.memory_space<vmem>>, vector<16xf32>,
      tpu.vector_store %arg7[%parallel_loop3A_185], %parallel_loop3A_182 {strides = array<i32>} : memref<65536xf32, #tpu.memory_space<vmem>>, vector<16xf32>,
      %parallel_loop3A_187 = arith.select %parallel_loop3A_142, %get3A_41, %get3A_57 : vector<16xi1>, vector<16xf32>
      %parallel_loop3A_188 = arith.select %parallel_loop3A_139, %get3A_25, %parallel_loop3A_187 : vector<16xi1>, vector<16xf32>
      %parallel_loop3A_189 = arith.constant 112 : i32
      %parallel_loop3A_190 = arith.addi %parallel_loop3A_144, %parallel_loop3A_189 : i32
      %parallel_loop3A_191 = arith.index_cast %parallel_loop3A_190 : i32 to index
      %parallel_loop3A_192 = tpu.vector_load %arg7[%parallel_loop3A_191] {strides = array<i32>} : memref<65536xf32, #tpu.memory_space<vmem>>, vector<16xf32>,
      tpu.vector_store %arg7[%parallel_loop3A_191], %parallel_loop3A_188 {strides = array<i32>} : memref<65536xf32, #tpu.memory_space<vmem>>, vector<16xf32>,
      %parallel_loop3A_193 = arith.constant 2 : i32
      %parallel_loop3A_194 = vector.broadcast %parallel_loop3A_193 : i32 to vector<16xi32>
      %parallel_loop3A_195 = vector.shape_cast %parallel_loop3A_194 : vector<16xi32> to vector<16x1xi32>
      %parallel_loop3A_196 = vector.shape_cast %parallel_loop3A_195 : vector<16x1xi32> to vector<16xi32>
      %parallel_loop3A_197 = tpu.dynamic_gather %parallel_loop3A_68[%parallel_loop3A_196] in [0] : vector<16xi32>, vector<16xi32> -> vector<16xi32>
      %parallel_loop3A_198 = arith.constant 0 : i32
      %parallel_loop3A_199 = vector.broadcast %parallel_loop3A_198 : i32 to vector<16xi32>
      %parallel_loop3A_200 = arith.cmpi eq, %parallel_loop3A_197, %parallel_loop3A_199 : vector<16xi32>
      %parallel_loop3A_201 = arith.constant 1 : i32
      %parallel_loop3A_202 = vector.broadcast %parallel_loop3A_201 : i32 to vector<16xi32>
      %parallel_loop3A_203 = arith.cmpi eq, %parallel_loop3A_197, %parallel_loop3A_202 : vector<16xi32>
      %parallel_loop3A_204 = arith.constant 256 : i32
      %parallel_loop3A_205 = arith.addi %parallel_loop3A_70, %parallel_loop3A_204 : i32
      %parallel_loop3A_206 = arith.select %parallel_loop3A_203, %get3A_27, %get3A_43 : vector<16xi1>, vector<16xf32>
      %parallel_loop3A_207 = arith.select %parallel_loop3A_200, %get3A_11, %parallel_loop3A_206 : vector<16xi1>, vector<16xf32>
      %parallel_loop3A_208 = arith.constant 0 : i32
      %parallel_loop3A_209 = arith.addi %parallel_loop3A_205, %parallel_loop3A_208 : i32
      %parallel_loop3A_210 = arith.index_cast %parallel_loop3A_209 : i32 to index
      %parallel_loop3A_211 = tpu.vector_load %arg7[%parallel_loop3A_210] {strides = array<i32>} : memref<65536xf32, #tpu.memory_space<vmem>>, vector<16xf32>,
      tpu.vector_store %arg7[%parallel_loop3A_210], %parallel_loop3A_207 {strides = array<i32>} : memref<65536xf32, #tpu.memory_space<vmem>>, vector<16xf32>,
      %parallel_loop3A_212 = arith.select %parallel_loop3A_203, %get3A_29, %get3A_45 : vector<16xi1>, vector<16xf32>
      %parallel_loop3A_213 = arith.select %parallel_loop3A_200, %get3A_13, %parallel_loop3A_212 : vector<16xi1>, vector<16xf32>
      %parallel_loop3A_214 = arith.constant 16 : i32
      %parallel_loop3A_215 = arith.addi %parallel_loop3A_205, %parallel_loop3A_214 : i32
      %parallel_loop3A_216 = arith.index_cast %parallel_loop3A_215 : i32 to index
      %parallel_loop3A_217 = tpu.vector_load %arg7[%parallel_loop3A_216] {strides = array<i32>} : memref<65536xf32, #tpu.memory_space<vmem>>, vector<16xf32>,
      tpu.vector_store %arg7[%parallel_loop3A_216], %parallel_loop3A_213 {strides = array<i32>} : memref<65536xf32, #tpu.memory_space<vmem>>, vector<16xf32>,
      %parallel_loop3A_218 = arith.select %parallel_loop3A_203, %get3A_31, %get3A_47 : vector<16xi1>, vector<16xf32>
      %parallel_loop3A_219 = arith.select %parallel_loop3A_200, %get3A_15, %parallel_loop3A_218 : vector<16xi1>, vector<16xf32>
      %parallel_loop3A_220 = arith.constant 32 : i32
      %parallel_loop3A_221 = arith.addi %parallel_loop3A_205, %parallel_loop3A_220 : i32
      %parallel_loop3A_222 = arith.index_cast %parallel_loop3A_221 : i32 to index
      %parallel_loop3A_223 = tpu.vector_load %arg7[%parallel_loop3A_222] {strides = array<i32>} : memref<65536xf32, #tpu.memory_space<vmem>>, vector<16xf32>,
      tpu.vector_store %arg7[%parallel_loop3A_222], %parallel_loop3A_219 {strides = array<i32>} : memref<65536xf32, #tpu.memory_space<vmem>>, vector<16xf32>,
      %parallel_loop3A_224 = arith.select %parallel_loop3A_203, %get3A_33, %get3A_49 : vector<16xi1>, vector<16xf32>
      %parallel_loop3A_225 = arith.select %parallel_loop3A_200, %get3A_17, %parallel_loop3A_224 : vector<16xi1>, vector<16xf32>
      %parallel_loop3A_226 = arith.constant 48 : i32
      %parallel_loop3A_227 = arith.addi %parallel_loop3A_205, %parallel_loop3A_226 : i32
      %parallel_loop3A_228 = arith.index_cast %parallel_loop3A_227 : i32 to index
      %parallel_loop3A_229 = tpu.vector_load %arg7[%parallel_loop3A_228] {strides = array<i32>} : memref<65536xf32, #tpu.memory_space<vmem>>, vector<16xf32>,
      tpu.vector_store %arg7[%parallel_loop3A_228], %parallel_loop3A_225 {strides = array<i32>} : memref<65536xf32, #tpu.memory_space<vmem>>, vector<16xf32>,
      %parallel_loop3A_230 = arith.select %parallel_loop3A_203, %get3A_35, %get3A_51 : vector<16xi1>, vector<16xf32>
      %parallel_loop3A_231 = arith.select %parallel_loop3A_200, %get3A_19, %parallel_loop3A_230 : vector<16xi1>, vector<16xf32>
      %parallel_loop3A_232 = arith.constant 64 : i32
      %parallel_loop3A_233 = arith.addi %parallel_loop3A_205, %parallel_loop3A_232 : i32
      %parallel_loop3A_234 = arith.index_cast %parallel_loop3A_233 : i32 to index
      %parallel_loop3A_235 = tpu.vector_load %arg7[%parallel_loop3A_234] {strides = array<i32>} : memref<65536xf32, #tpu.memory_space<vmem>>, vector<16xf32>,
      tpu.vector_store %arg7[%parallel_loop3A_234], %parallel_loop3A_231 {strides = array<i32>} : memref<65536xf32, #tpu.memory_space<vmem>>, vector<16xf32>,
      %parallel_loop3A_236 = arith.select %parallel_loop3A_203, %get3A_37, %get3A_53 : vector<16xi1>, vector<16xf32>
      %parallel_loop3A_237 = arith.select %parallel_loop3A_200, %get3A_21, %parallel_loop3A_236 : vector<16xi1>, vector<16xf32>
      %parallel_loop3A_238 = arith.constant 80 : i32
      %parallel_loop3A_239 = arith.addi %parallel_loop3A_205, %parallel_loop3A_238 : i32
      %parallel_loop3A_240 = arith.index_cast %parallel_loop3A_239 : i32 to index
      %parallel_loop3A_241 = tpu.vector_load %arg7[%parallel_loop3A_240] {strides = array<i32>} : memref<65536xf32, #tpu.memory_space<vmem>>, vector<16xf32>,
      tpu.vector_store %arg7[%parallel_loop3A_240], %parallel_loop3A_237 {strides = array<i32>} : memref<65536xf32, #tpu.memory_space<vmem>>, vector<16xf32>,
      %parallel_loop3A_242 = arith.select %parallel_loop3A_203, %get3A_39, %get3A_55 : vector<16xi1>, vector<16xf32>
      %parallel_loop3A_243 = arith.select %parallel_loop3A_200, %get3A_23, %parallel_loop3A_242 : vector<16xi1>, vector<16xf32>
      %parallel_loop3A_244 = arith.constant 96 : i32
      %parallel_loop3A_245 = arith.addi %parallel_loop3A_205, %parallel_loop3A_244 : i32
      %parallel_loop3A_246 = arith.index_cast %parallel_loop3A_245 : i32 to index
      %parallel_loop3A_247 = tpu.vector_load %arg7[%parallel_loop3A_246] {strides = array<i32>} : memref<65536xf32, #tpu.memory_space<vmem>>, vector<16xf32>,
      tpu.vector_store %arg7[%parallel_loop3A_246], %parallel_loop3A_243 {strides = array<i32>} : memref<65536xf32, #tpu.memory_space<vmem>>, vector<16xf32>,
      %parallel_loop3A_248 = arith.select %parallel_loop3A_203, %get3A_41, %get3A_57 : vector<16xi1>, vector<16xf32>
      %parallel_loop3A_249 = arith.select %parallel_loop3A_200, %get3A_25, %parallel_loop3A_248 : vector<16xi1>, vector<16xf32>
      %parallel_loop3A_250 = arith.constant 112 : i32
      %parallel_loop3A_251 = arith.addi %parallel_loop3A_205, %parallel_loop3A_250 : i32
      %parallel_loop3A_252 = arith.index_cast %parallel_loop3A_251 : i32 to index
      %parallel_loop3A_253 = tpu.vector_load %arg7[%parallel_loop3A_252] {strides = array<i32>} : memref<65536xf32, #tpu.memory_space<vmem>>, vector<16xf32>,
      tpu.vector_store %arg7[%parallel_loop3A_252], %parallel_loop3A_249 {strides = array<i32>} : memref<65536xf32, #tpu.memory_space<vmem>>, vector<16xf32>,
      %parallel_loop3A_254 = arith.constant 3 : i32
      %parallel_loop3A_255 = vector.broadcast %parallel_loop3A_254 : i32 to vector<16xi32>
      %parallel_loop3A_256 = vector.shape_cast %parallel_loop3A_255 : vector<16xi32> to vector<16x1xi32>
      %parallel_loop3A_257 = vector.shape_cast %parallel_loop3A_256 : vector<16x1xi32> to vector<16xi32>
      %parallel_loop3A_258 = tpu.dynamic_gather %parallel_loop3A_68[%parallel_loop3A_257] in [0] : vector<16xi32>, vector<16xi32> -> vector<16xi32>
      %parallel_loop3A_259 = arith.constant 0 : i32
      %parallel_loop3A_260 = vector.broadcast %parallel_loop3A_259 : i32 to vector<16xi32>
      %parallel_loop3A_261 = arith.cmpi eq, %parallel_loop3A_258, %parallel_loop3A_260 : vector<16xi32>
      %parallel_loop3A_262 = arith.constant 1 : i32
      %parallel_loop3A_263 = vector.broadcast %parallel_loop3A_262 : i32 to vector<16xi32>
      %parallel_loop3A_264 = arith.cmpi eq, %parallel_loop3A_258, %parallel_loop3A_263 : vector<16xi32>
      %parallel_loop3A_265 = arith.constant 384 : i32
      %parallel_loop3A_266 = arith.addi %parallel_loop3A_70, %parallel_loop3A_265 : i32
      %parallel_loop3A_267 = arith.select %parallel_loop3A_264, %get3A_27, %get3A_43 : vector<16xi1>, vector<16xf32>
      %parallel_loop3A_268 = arith.select %parallel_loop3A_261, %get3A_11, %parallel_loop3A_267 : vector<16xi1>, vector<16xf32>
      %parallel_loop3A_269 = arith.constant 0 : i32
      %parallel_loop3A_270 = arith.addi %parallel_loop3A_266, %parallel_loop3A_269 : i32
      %parallel_loop3A_271 = arith.index_cast %parallel_loop3A_270 : i32 to index
      %parallel_loop3A_272 = tpu.vector_load %arg7[%parallel_loop3A_271] {strides = array<i32>} : memref<65536xf32, #tpu.memory_space<vmem>>, vector<16xf32>,
      tpu.vector_store %arg7[%parallel_loop3A_271], %parallel_loop3A_268 {strides = array<i32>} : memref<65536xf32, #tpu.memory_space<vmem>>, vector<16xf32>,
      %parallel_loop3A_273 = arith.select %parallel_loop3A_264, %get3A_29, %get3A_45 : vector<16xi1>, vector<16xf32>
      %parallel_loop3A_274 = arith.select %parallel_loop3A_261, %get3A_13, %parallel_loop3A_273 : vector<16xi1>, vector<16xf32>
      %parallel_loop3A_275 = arith.constant 16 : i32
      %parallel_loop3A_276 = arith.addi %parallel_loop3A_266, %parallel_loop3A_275 : i32
      %parallel_loop3A_277 = arith.index_cast %parallel_loop3A_276 : i32 to index
      %parallel_loop3A_278 = tpu.vector_load %arg7[%parallel_loop3A_277] {strides = array<i32>} : memref<65536xf32, #tpu.memory_space<vmem>>, vector<16xf32>,
      tpu.vector_store %arg7[%parallel_loop3A_277], %parallel_loop3A_274 {strides = array<i32>} : memref<65536xf32, #tpu.memory_space<vmem>>, vector<16xf32>,
      %parallel_loop3A_279 = arith.select %parallel_loop3A_264, %get3A_31, %get3A_47 : vector<16xi1>, vector<16xf32>
      %parallel_loop3A_280 = arith.select %parallel_loop3A_261, %get3A_15, %parallel_loop3A_279 : vector<16xi1>, vector<16xf32>
      %parallel_loop3A_281 = arith.constant 32 : i32
      %parallel_loop3A_282 = arith.addi %parallel_loop3A_266, %parallel_loop3A_281 : i32
      %parallel_loop3A_283 = arith.index_cast %parallel_loop3A_282 : i32 to index
      %parallel_loop3A_284 = tpu.vector_load %arg7[%parallel_loop3A_283] {strides = array<i32>} : memref<65536xf32, #tpu.memory_space<vmem>>, vector<16xf32>,
      tpu.vector_store %arg7[%parallel_loop3A_283], %parallel_loop3A_280 {strides = array<i32>} : memref<65536xf32, #tpu.memory_space<vmem>>, vector<16xf32>,
      %parallel_loop3A_285 = arith.select %parallel_loop3A_264, %get3A_33, %get3A_49 : vector<16xi1>, vector<16xf32>
      %parallel_loop3A_286 = arith.select %parallel_loop3A_261, %get3A_17, %parallel_loop3A_285 : vector<16xi1>, vector<16xf32>
      %parallel_loop3A_287 = arith.constant 48 : i32
      %parallel_loop3A_288 = arith.addi %parallel_loop3A_266, %parallel_loop3A_287 : i32
      %parallel_loop3A_289 = arith.index_cast %parallel_loop3A_288 : i32 to index
      %parallel_loop3A_290 = tpu.vector_load %arg7[%parallel_loop3A_289] {strides = array<i32>} : memref<65536xf32, #tpu.memory_space<vmem>>, vector<16xf32>,
      tpu.vector_store %arg7[%parallel_loop3A_289], %parallel_loop3A_286 {strides = array<i32>} : memref<65536xf32, #tpu.memory_space<vmem>>, vector<16xf32>,
      %parallel_loop3A_291 = arith.select %parallel_loop3A_264, %get3A_35, %get3A_51 : vector<16xi1>, vector<16xf32>
      %parallel_loop3A_292 = arith.select %parallel_loop3A_261, %get3A_19, %parallel_loop3A_291 : vector<16xi1>, vector<16xf32>
      %parallel_loop3A_293 = arith.constant 64 : i32
      %parallel_loop3A_294 = arith.addi %parallel_loop3A_266, %parallel_loop3A_293 : i32
      %parallel_loop3A_295 = arith.index_cast %parallel_loop3A_294 : i32 to index
      %parallel_loop3A_296 = tpu.vector_load %arg7[%parallel_loop3A_295] {strides = array<i32>} : memref<65536xf32, #tpu.memory_space<vmem>>, vector<16xf32>,
      tpu.vector_store %arg7[%parallel_loop3A_295], %parallel_loop3A_292 {strides = array<i32>} : memref<65536xf32, #tpu.memory_space<vmem>>, vector<16xf32>,
      %parallel_loop3A_297 = arith.select %parallel_loop3A_264, %get3A_37, %get3A_53 : vector<16xi1>, vector<16xf32>
      %parallel_loop3A_298 = arith.select %parallel_loop3A_261, %get3A_21, %parallel_loop3A_297 : vector<16xi1>, vector<16xf32>
      %parallel_loop3A_299 = arith.constant 80 : i32
      %parallel_loop3A_300 = arith.addi %parallel_loop3A_266, %parallel_loop3A_299 : i32
      %parallel_loop3A_301 = arith.index_cast %parallel_loop3A_300 : i32 to index
      %parallel_loop3A_302 = tpu.vector_load %arg7[%parallel_loop3A_301] {strides = array<i32>} : memref<65536xf32, #tpu.memory_space<vmem>>, vector<16xf32>,
      tpu.vector_store %arg7[%parallel_loop3A_301], %parallel_loop3A_298 {strides = array<i32>} : memref<65536xf32, #tpu.memory_space<vmem>>, vector<16xf32>,
      %parallel_loop3A_303 = arith.select %parallel_loop3A_264, %get3A_39, %get3A_55 : vector<16xi1>, vector<16xf32>
      %parallel_loop3A_304 = arith.select %parallel_loop3A_261, %get3A_23, %parallel_loop3A_303 : vector<16xi1>, vector<16xf32>
      %parallel_loop3A_305 = arith.constant 96 : i32
      %parallel_loop3A_306 = arith.addi %parallel_loop3A_266, %parallel_loop3A_305 : i32
      %parallel_loop3A_307 = arith.index_cast %parallel_loop3A_306 : i32 to index
      %parallel_loop3A_308 = tpu.vector_load %arg7[%parallel_loop3A_307] {strides = array<i32>} : memref<65536xf32, #tpu.memory_space<vmem>>, vector<16xf32>,
      tpu.vector_store %arg7[%parallel_loop3A_307], %parallel_loop3A_304 {strides = array<i32>} : memref<65536xf32, #tpu.memory_space<vmem>>, vector<16xf32>,
      %parallel_loop3A_309 = arith.select %parallel_loop3A_264, %get3A_41, %get3A_57 : vector<16xi1>, vector<16xf32>
      %parallel_loop3A_310 = arith.select %parallel_loop3A_261, %get3A_25, %parallel_loop3A_309 : vector<16xi1>, vector<16xf32>
      %parallel_loop3A_311 = arith.constant 112 : i32
      %parallel_loop3A_312 = arith.addi %parallel_loop3A_266, %parallel_loop3A_311 : i32
      %parallel_loop3A_313 = arith.index_cast %parallel_loop3A_312 : i32 to index
      %parallel_loop3A_314 = tpu.vector_load %arg7[%parallel_loop3A_313] {strides = array<i32>} : memref<65536xf32, #tpu.memory_space<vmem>>, vector<16xf32>,
      tpu.vector_store %arg7[%parallel_loop3A_313], %parallel_loop3A_310 {strides = array<i32>} : memref<65536xf32, #tpu.memory_space<vmem>>, vector<16xf32>,
      %parallel_loop3A_315 = arith.constant 4 : i32
      %parallel_loop3A_316 = vector.broadcast %parallel_loop3A_315 : i32 to vector<16xi32>
      %parallel_loop3A_317 = vector.shape_cast %parallel_loop3A_316 : vector<16xi32> to vector<16x1xi32>
      %parallel_loop3A_318 = vector.shape_cast %parallel_loop3A_317 : vector<16x1xi32> to vector<16xi32>
      %parallel_loop3A_319 = tpu.dynamic_gather %parallel_loop3A_68[%parallel_loop3A_318] in [0] : vector<16xi32>, vector<16xi32> -> vector<16xi32>
      %parallel_loop3A_320 = arith.constant 0 : i32
      %parallel_loop3A_321 = vector.broadcast %parallel_loop3A_320 : i32 to vector<16xi32>
      %parallel_loop3A_322 = arith.cmpi eq, %parallel_loop3A_319, %parallel_loop3A_321 : vector<16xi32>
      %parallel_loop3A_323 = arith.constant 1 : i32
      %parallel_loop3A_324 = vector.broadcast %parallel_loop3A_323 : i32 to vector<16xi32>
      %parallel_loop3A_325 = arith.cmpi eq, %parallel_loop3A_319, %parallel_loop3A_324 : vector<16xi32>
      %parallel_loop3A_326 = arith.constant 512 : i32
      %parallel_loop3A_327 = arith.addi %parallel_loop3A_70, %parallel_loop3A_326 : i32
      %parallel_loop3A_328 = arith.select %parallel_loop3A_325, %get3A_27, %get3A_43 : vector<16xi1>, vector<16xf32>
      %parallel_loop3A_329 = arith.select %parallel_loop3A_322, %get3A_11, %parallel_loop3A_328 : vector<16xi1>, vector<16xf32>
      %parallel_loop3A_330 = arith.constant 0 : i32
      %parallel_loop3A_331 = arith.addi %parallel_loop3A_327, %parallel_loop3A_330 : i32
      %parallel_loop3A_332 = arith.index_cast %parallel_loop3A_331 : i32 to index
      %parallel_loop3A_333 = tpu.vector_load %arg7[%parallel_loop3A_332] {strides = array<i32>} : memref<65536xf32, #tpu.memory_space<vmem>>, vector<16xf32>,
      tpu.vector_store %arg7[%parallel_loop3A_332], %parallel_loop3A_329 {strides = array<i32>} : memref<65536xf32, #tpu.memory_space<vmem>>, vector<16xf32>,
      %parallel_loop3A_334 = arith.select %parallel_loop3A_325, %get3A_29, %get3A_45 : vector<16xi1>, vector<16xf32>
      %parallel_loop3A_335 = arith.select %parallel_loop3A_322, %get3A_13, %parallel_loop3A_334 : vector<16xi1>, vector<16xf32>
      %parallel_loop3A_336 = arith.constant 16 : i32
      %parallel_loop3A_337 = arith.addi %parallel_loop3A_327, %parallel_loop3A_336 : i32
      %parallel_loop3A_338 = arith.index_cast %parallel_loop3A_337 : i32 to index
      %parallel_loop3A_339 = tpu.vector_load %arg7[%parallel_loop3A_338] {strides = array<i32>} : memref<65536xf32, #tpu.memory_space<vmem>>, vector<16xf32>,
      tpu.vector_store %arg7[%parallel_loop3A_338], %parallel_loop3A_335 {strides = array<i32>} : memref<65536xf32, #tpu.memory_space<vmem>>, vector<16xf32>,
      %parallel_loop3A_340 = arith.select %parallel_loop3A_325, %get3A_31, %get3A_47 : vector<16xi1>, vector<16xf32>
      %parallel_loop3A_341 = arith.select %parallel_loop3A_322, %get3A_15, %parallel_loop3A_340 : vector<16xi1>, vector<16xf32>
      %parallel_loop3A_342 = arith.constant 32 : i32
      %parallel_loop3A_343 = arith.addi %parallel_loop3A_327, %parallel_loop3A_342 : i32
      %parallel_loop3A_344 = arith.index_cast %parallel_loop3A_343 : i32 to index
      %parallel_loop3A_345 = tpu.vector_load %arg7[%parallel_loop3A_344] {strides = array<i32>} : memref<65536xf32, #tpu.memory_space<vmem>>, vector<16xf32>,
      tpu.vector_store %arg7[%parallel_loop3A_344], %parallel_loop3A_341 {strides = array<i32>} : memref<65536xf32, #tpu.memory_space<vmem>>, vector<16xf32>,
      %parallel_loop3A_346 = arith.select %parallel_loop3A_325, %get3A_33, %get3A_49 : vector<16xi1>, vector<16xf32>
      %parallel_loop3A_347 = arith.select %parallel_loop3A_322, %get3A_17, %parallel_loop3A_346 : vector<16xi1>, vector<16xf32>
      %parallel_loop3A_348 = arith.constant 48 : i32
      %parallel_loop3A_349 = arith.addi %parallel_loop3A_327, %parallel_loop3A_348 : i32
      %parallel_loop3A_350 = arith.index_cast %parallel_loop3A_349 : i32 to index
      %parallel_loop3A_351 = tpu.vector_load %arg7[%parallel_loop3A_350] {strides = array<i32>} : memref<65536xf32, #tpu.memory_space<vmem>>, vector<16xf32>,
      tpu.vector_store %arg7[%parallel_loop3A_350], %parallel_loop3A_347 {strides = array<i32>} : memref<65536xf32, #tpu.memory_space<vmem>>, vector<16xf32>,
      %parallel_loop3A_352 = arith.select %parallel_loop3A_325, %get3A_35, %get3A_51 : vector<16xi1>, vector<16xf32>
      %parallel_loop3A_353 = arith.select %parallel_loop3A_322, %get3A_19, %parallel_loop3A_352 : vector<16xi1>, vector<16xf32>
      %parallel_loop3A_354 = arith.constant 64 : i32
      %parallel_loop3A_355 = arith.addi %parallel_loop3A_327, %parallel_loop3A_354 : i32
      %parallel_loop3A_356 = arith.index_cast %parallel_loop3A_355 : i32 to index
      %parallel_loop3A_357 = tpu.vector_load %arg7[%parallel_loop3A_356] {strides = array<i32>} : memref<65536xf32, #tpu.memory_space<vmem>>, vector<16xf32>,
      tpu.vector_store %arg7[%parallel_loop3A_356], %parallel_loop3A_353 {strides = array<i32>} : memref<65536xf32, #tpu.memory_space<vmem>>, vector<16xf32>,
      %parallel_loop3A_358 = arith.select %parallel_loop3A_325, %get3A_37, %get3A_53 : vector<16xi1>, vector<16xf32>
      %parallel_loop3A_359 = arith.select %parallel_loop3A_322, %get3A_21, %parallel_loop3A_358 : vector<16xi1>, vector<16xf32>
      %parallel_loop3A_360 = arith.constant 80 : i32
      %parallel_loop3A_361 = arith.addi %parallel_loop3A_327, %parallel_loop3A_360 : i32
      %parallel_loop3A_362 = arith.index_cast %parallel_loop3A_361 : i32 to index
      %parallel_loop3A_363 = tpu.vector_load %arg7[%parallel_loop3A_362] {strides = array<i32>} : memref<65536xf32, #tpu.memory_space<vmem>>, vector<16xf32>,
      tpu.vector_store %arg7[%parallel_loop3A_362], %parallel_loop3A_359 {strides = array<i32>} : memref<65536xf32, #tpu.memory_space<vmem>>, vector<16xf32>,
      %parallel_loop3A_364 = arith.select %parallel_loop3A_325, %get3A_39, %get3A_55 : vector<16xi1>, vector<16xf32>
      %parallel_loop3A_365 = arith.select %parallel_loop3A_322, %get3A_23, %parallel_loop3A_364 : vector<16xi1>, vector<16xf32>
      %parallel_loop3A_366 = arith.constant 96 : i32
      %parallel_loop3A_367 = arith.addi %parallel_loop3A_327, %parallel_loop3A_366 : i32
      %parallel_loop3A_368 = arith.index_cast %parallel_loop3A_367 : i32 to index
      %parallel_loop3A_369 = tpu.vector_load %arg7[%parallel_loop3A_368] {strides = array<i32>} : memref<65536xf32, #tpu.memory_space<vmem>>, vector<16xf32>,
      tpu.vector_store %arg7[%parallel_loop3A_368], %parallel_loop3A_365 {strides = array<i32>} : memref<65536xf32, #tpu.memory_space<vmem>>, vector<16xf32>,
      %parallel_loop3A_370 = arith.select %parallel_loop3A_325, %get3A_41, %get3A_57 : vector<16xi1>, vector<16xf32>
      %parallel_loop3A_371 = arith.select %parallel_loop3A_322, %get3A_25, %parallel_loop3A_370 : vector<16xi1>, vector<16xf32>
      %parallel_loop3A_372 = arith.constant 112 : i32
      %parallel_loop3A_373 = arith.addi %parallel_loop3A_327, %parallel_loop3A_372 : i32
      %parallel_loop3A_374 = arith.index_cast %parallel_loop3A_373 : i32 to index
      %parallel_loop3A_375 = tpu.vector_load %arg7[%parallel_loop3A_374] {strides = array<i32>} : memref<65536xf32, #tpu.memory_space<vmem>>, vector<16xf32>,
      tpu.vector_store %arg7[%parallel_loop3A_374], %parallel_loop3A_371 {strides = array<i32>} : memref<65536xf32, #tpu.memory_space<vmem>>, vector<16xf32>,
      %parallel_loop3A_376 = arith.constant 5 : i32
      %parallel_loop3A_377 = vector.broadcast %parallel_loop3A_376 : i32 to vector<16xi32>
      %parallel_loop3A_378 = vector.shape_cast %parallel_loop3A_377 : vector<16xi32> to vector<16x1xi32>
      %parallel_loop3A_379 = vector.shape_cast %parallel_loop3A_378 : vector<16x1xi32> to vector<16xi32>
      %parallel_loop3A_380 = tpu.dynamic_gather %parallel_loop3A_68[%parallel_loop3A_379] in [0] : vector<16xi32>, vector<16xi32> -> vector<16xi32>
      %parallel_loop3A_381 = arith.constant 0 : i32
      %parallel_loop3A_382 = vector.broadcast %parallel_loop3A_381 : i32 to vector<16xi32>
      %parallel_loop3A_383 = arith.cmpi eq, %parallel_loop3A_380, %parallel_loop3A_382 : vector<16xi32>
      %parallel_loop3A_384 = arith.constant 1 : i32
      %parallel_loop3A_385 = vector.broadcast %parallel_loop3A_384 : i32 to vector<16xi32>
      %parallel_loop3A_386 = arith.cmpi eq, %parallel_loop3A_380, %parallel_loop3A_385 : vector<16xi32>
      %parallel_loop3A_387 = arith.constant 640 : i32
      %parallel_loop3A_388 = arith.addi %parallel_loop3A_70, %parallel_loop3A_387 : i32
      %parallel_loop3A_389 = arith.select %parallel_loop3A_386, %get3A_27, %get3A_43 : vector<16xi1>, vector<16xf32>
      %parallel_loop3A_390 = arith.select %parallel_loop3A_383, %get3A_11, %parallel_loop3A_389 : vector<16xi1>, vector<16xf32>
      %parallel_loop3A_391 = arith.constant 0 : i32
      %parallel_loop3A_392 = arith.addi %parallel_loop3A_388, %parallel_loop3A_391 : i32
      %parallel_loop3A_393 = arith.index_cast %parallel_loop3A_392 : i32 to index
      %parallel_loop3A_394 = tpu.vector_load %arg7[%parallel_loop3A_393] {strides = array<i32>} : memref<65536xf32, #tpu.memory_space<vmem>>, vector<16xf32>,
      tpu.vector_store %arg7[%parallel_loop3A_393], %parallel_loop3A_390 {strides = array<i32>} : memref<65536xf32, #tpu.memory_space<vmem>>, vector<16xf32>,
      %parallel_loop3A_395 = arith.select %parallel_loop3A_386, %get3A_29, %get3A_45 : vector<16xi1>, vector<16xf32>
      %parallel_loop3A_396 = arith.select %parallel_loop3A_383, %get3A_13, %parallel_loop3A_395 : vector<16xi1>, vector<16xf32>
      %parallel_loop3A_397 = arith.constant 16 : i32
      %parallel_loop3A_398 = arith.addi %parallel_loop3A_388, %parallel_loop3A_397 : i32
      %parallel_loop3A_399 = arith.index_cast %parallel_loop3A_398 : i32 to index
      %parallel_loop3A_400 = tpu.vector_load %arg7[%parallel_loop3A_399] {strides = array<i32>} : memref<65536xf32, #tpu.memory_space<vmem>>, vector<16xf32>,
      tpu.vector_store %arg7[%parallel_loop3A_399], %parallel_loop3A_396 {strides = array<i32>} : memref<65536xf32, #tpu.memory_space<vmem>>, vector<16xf32>,
      %parallel_loop3A_401 = arith.select %parallel_loop3A_386, %get3A_31, %get3A_47 : vector<16xi1>, vector<16xf32>
      %parallel_loop3A_402 = arith.select %parallel_loop3A_383, %get3A_15, %parallel_loop3A_401 : vector<16xi1>, vector<16xf32>
      %parallel_loop3A_403 = arith.constant 32 : i32
      %parallel_loop3A_404 = arith.addi %parallel_loop3A_388, %parallel_loop3A_403 : i32
      %parallel_loop3A_405 = arith.index_cast %parallel_loop3A_404 : i32 to index
      %parallel_loop3A_406 = tpu.vector_load %arg7[%parallel_loop3A_405] {strides = array<i32>} : memref<65536xf32, #tpu.memory_space<vmem>>, vector<16xf32>,
      tpu.vector_store %arg7[%parallel_loop3A_405], %parallel_loop3A_402 {strides = array<i32>} : memref<65536xf32, #tpu.memory_space<vmem>>, vector<16xf32>,
      %parallel_loop3A_407 = arith.select %parallel_loop3A_386, %get3A_33, %get3A_49 : vector<16xi1>, vector<16xf32>
      %parallel_loop3A_408 = arith.select %parallel_loop3A_383, %get3A_17, %parallel_loop3A_407 : vector<16xi1>, vector<16xf32>
      %parallel_loop3A_409 = arith.constant 48 : i32
      %parallel_loop3A_410 = arith.addi %parallel_loop3A_388, %parallel_loop3A_409 : i32
      %parallel_loop3A_411 = arith.index_cast %parallel_loop3A_410 : i32 to index
      %parallel_loop3A_412 = tpu.vector_load %arg7[%parallel_loop3A_411] {strides = array<i32>} : memref<65536xf32, #tpu.memory_space<vmem>>, vector<16xf32>,
      tpu.vector_store %arg7[%parallel_loop3A_411], %parallel_loop3A_408 {strides = array<i32>} : memref<65536xf32, #tpu.memory_space<vmem>>, vector<16xf32>,
      %parallel_loop3A_413 = arith.select %parallel_loop3A_386, %get3A_35, %get3A_51 : vector<16xi1>, vector<16xf32>
      %parallel_loop3A_414 = arith.select %parallel_loop3A_383, %get3A_19, %parallel_loop3A_413 : vector<16xi1>, vector<16xf32>
      %parallel_loop3A_415 = arith.constant 64 : i32
      %parallel_loop3A_416 = arith.addi %parallel_loop3A_388, %parallel_loop3A_415 : i32
      %parallel_loop3A_417 = arith.index_cast %parallel_loop3A_416 : i32 to index
      %parallel_loop3A_418 = tpu.vector_load %arg7[%parallel_loop3A_417] {strides = array<i32>} : memref<65536xf32, #tpu.memory_space<vmem>>, vector<16xf32>,
      tpu.vector_store %arg7[%parallel_loop3A_417], %parallel_loop3A_414 {strides = array<i32>} : memref<65536xf32, #tpu.memory_space<vmem>>, vector<16xf32>,
      %parallel_loop3A_419 = arith.select %parallel_loop3A_386, %get3A_37, %get3A_53 : vector<16xi1>, vector<16xf32>
      %parallel_loop3A_420 = arith.select %parallel_loop3A_383, %get3A_21, %parallel_loop3A_419 : vector<16xi1>, vector<16xf32>
      %parallel_loop3A_421 = arith.constant 80 : i32
      %parallel_loop3A_422 = arith.addi %parallel_loop3A_388, %parallel_loop3A_421 : i32
      %parallel_loop3A_423 = arith.index_cast %parallel_loop3A_422 : i32 to index
      %parallel_loop3A_424 = tpu.vector_load %arg7[%parallel_loop3A_423] {strides = array<i32>} : memref<65536xf32, #tpu.memory_space<vmem>>, vector<16xf32>,
      tpu.vector_store %arg7[%parallel_loop3A_423], %parallel_loop3A_420 {strides = array<i32>} : memref<65536xf32, #tpu.memory_space<vmem>>, vector<16xf32>,
      %parallel_loop3A_425 = arith.select %parallel_loop3A_386, %get3A_39, %get3A_55 : vector<16xi1>, vector<16xf32>
      %parallel_loop3A_426 = arith.select %parallel_loop3A_383, %get3A_23, %parallel_loop3A_425 : vector<16xi1>, vector<16xf32>
      %parallel_loop3A_427 = arith.constant 96 : i32
      %parallel_loop3A_428 = arith.addi %parallel_loop3A_388, %parallel_loop3A_427 : i32
      %parallel_loop3A_429 = arith.index_cast %parallel_loop3A_428 : i32 to index
      %parallel_loop3A_430 = tpu.vector_load %arg7[%parallel_loop3A_429] {strides = array<i32>} : memref<65536xf32, #tpu.memory_space<vmem>>, vector<16xf32>,
      tpu.vector_store %arg7[%parallel_loop3A_429], %parallel_loop3A_426 {strides = array<i32>} : memref<65536xf32, #tpu.memory_space<vmem>>, vector<16xf32>,
      %parallel_loop3A_431 = arith.select %parallel_loop3A_386, %get3A_41, %get3A_57 : vector<16xi1>, vector<16xf32>
      %parallel_loop3A_432 = arith.select %parallel_loop3A_383, %get3A_25, %parallel_loop3A_431 : vector<16xi1>, vector<16xf32>
      %parallel_loop3A_433 = arith.constant 112 : i32
      %parallel_loop3A_434 = arith.addi %parallel_loop3A_388, %parallel_loop3A_433 : i32
      %parallel_loop3A_435 = arith.index_cast %parallel_loop3A_434 : i32 to index
      %parallel_loop3A_436 = tpu.vector_load %arg7[%parallel_loop3A_435] {strides = array<i32>} : memref<65536xf32, #tpu.memory_space<vmem>>, vector<16xf32>,
      tpu.vector_store %arg7[%parallel_loop3A_435], %parallel_loop3A_432 {strides = array<i32>} : memref<65536xf32, #tpu.memory_space<vmem>>, vector<16xf32>,
      %parallel_loop3A_437 = arith.constant 6 : i32
      %parallel_loop3A_438 = vector.broadcast %parallel_loop3A_437 : i32 to vector<16xi32>
      %parallel_loop3A_439 = vector.shape_cast %parallel_loop3A_438 : vector<16xi32> to vector<16x1xi32>
      %parallel_loop3A_440 = vector.shape_cast %parallel_loop3A_439 : vector<16x1xi32> to vector<16xi32>
      %parallel_loop3A_441 = tpu.dynamic_gather %parallel_loop3A_68[%parallel_loop3A_440] in [0] : vector<16xi32>, vector<16xi32> -> vector<16xi32>
      %parallel_loop3A_442 = arith.constant 0 : i32
      %parallel_loop3A_443 = vector.broadcast %parallel_loop3A_442 : i32 to vector<16xi32>
      %parallel_loop3A_444 = arith.cmpi eq, %parallel_loop3A_441, %parallel_loop3A_443 : vector<16xi32>
      %parallel_loop3A_445 = arith.constant 1 : i32
      %parallel_loop3A_446 = vector.broadcast %parallel_loop3A_445 : i32 to vector<16xi32>
      %parallel_loop3A_447 = arith.cmpi eq, %parallel_loop3A_441, %parallel_loop3A_446 : vector<16xi32>
      %parallel_loop3A_448 = arith.constant 768 : i32
      %parallel_loop3A_449 = arith.addi %parallel_loop3A_70, %parallel_loop3A_448 : i32
      %parallel_loop3A_450 = arith.select %parallel_loop3A_447, %get3A_27, %get3A_43 : vector<16xi1>, vector<16xf32>
      %parallel_loop3A_451 = arith.select %parallel_loop3A_444, %get3A_11, %parallel_loop3A_450 : vector<16xi1>, vector<16xf32>
      %parallel_loop3A_452 = arith.constant 0 : i32
      %parallel_loop3A_453 = arith.addi %parallel_loop3A_449, %parallel_loop3A_452 : i32
      %parallel_loop3A_454 = arith.index_cast %parallel_loop3A_453 : i32 to index
      %parallel_loop3A_455 = tpu.vector_load %arg7[%parallel_loop3A_454] {strides = array<i32>} : memref<65536xf32, #tpu.memory_space<vmem>>, vector<16xf32>,
      tpu.vector_store %arg7[%parallel_loop3A_454], %parallel_loop3A_451 {strides = array<i32>} : memref<65536xf32, #tpu.memory_space<vmem>>, vector<16xf32>,
      %parallel_loop3A_456 = arith.select %parallel_loop3A_447, %get3A_29, %get3A_45 : vector<16xi1>, vector<16xf32>
      %parallel_loop3A_457 = arith.select %parallel_loop3A_444, %get3A_13, %parallel_loop3A_456 : vector<16xi1>, vector<16xf32>
      %parallel_loop3A_458 = arith.constant 16 : i32
      %parallel_loop3A_459 = arith.addi %parallel_loop3A_449, %parallel_loop3A_458 : i32
      %parallel_loop3A_460 = arith.index_cast %parallel_loop3A_459 : i32 to index
      %parallel_loop3A_461 = tpu.vector_load %arg7[%parallel_loop3A_460] {strides = array<i32>} : memref<65536xf32, #tpu.memory_space<vmem>>, vector<16xf32>,
      tpu.vector_store %arg7[%parallel_loop3A_460], %parallel_loop3A_457 {strides = array<i32>} : memref<65536xf32, #tpu.memory_space<vmem>>, vector<16xf32>,
      %parallel_loop3A_462 = arith.select %parallel_loop3A_447, %get3A_31, %get3A_47 : vector<16xi1>, vector<16xf32>
      %parallel_loop3A_463 = arith.select %parallel_loop3A_444, %get3A_15, %parallel_loop3A_462 : vector<16xi1>, vector<16xf32>
      %parallel_loop3A_464 = arith.constant 32 : i32
      %parallel_loop3A_465 = arith.addi %parallel_loop3A_449, %parallel_loop3A_464 : i32
      %parallel_loop3A_466 = arith.index_cast %parallel_loop3A_465 : i32 to index
      %parallel_loop3A_467 = tpu.vector_load %arg7[%parallel_loop3A_466] {strides = array<i32>} : memref<65536xf32, #tpu.memory_space<vmem>>, vector<16xf32>,
      tpu.vector_store %arg7[%parallel_loop3A_466], %parallel_loop3A_463 {strides = array<i32>} : memref<65536xf32, #tpu.memory_space<vmem>>, vector<16xf32>,
      %parallel_loop3A_468 = arith.select %parallel_loop3A_447, %get3A_33, %get3A_49 : vector<16xi1>, vector<16xf32>
      %parallel_loop3A_469 = arith.select %parallel_loop3A_444, %get3A_17, %parallel_loop3A_468 : vector<16xi1>, vector<16xf32>
      %parallel_loop3A_470 = arith.constant 48 : i32
      %parallel_loop3A_471 = arith.addi %parallel_loop3A_449, %parallel_loop3A_470 : i32
      %parallel_loop3A_472 = arith.index_cast %parallel_loop3A_471 : i32 to index
      %parallel_loop3A_473 = tpu.vector_load %arg7[%parallel_loop3A_472] {strides = array<i32>} : memref<65536xf32, #tpu.memory_space<vmem>>, vector<16xf32>,
      tpu.vector_store %arg7[%parallel_loop3A_472], %parallel_loop3A_469 {strides = array<i32>} : memref<65536xf32, #tpu.memory_space<vmem>>, vector<16xf32>,
      %parallel_loop3A_474 = arith.select %parallel_loop3A_447, %get3A_35, %get3A_51 : vector<16xi1>, vector<16xf32>
      %parallel_loop3A_475 = arith.select %parallel_loop3A_444, %get3A_19, %parallel_loop3A_474 : vector<16xi1>, vector<16xf32>
      %parallel_loop3A_476 = arith.constant 64 : i32
      %parallel_loop3A_477 = arith.addi %parallel_loop3A_449, %parallel_loop3A_476 : i32
      %parallel_loop3A_478 = arith.index_cast %parallel_loop3A_477 : i32 to index
      %parallel_loop3A_479 = tpu.vector_load %arg7[%parallel_loop3A_478] {strides = array<i32>} : memref<65536xf32, #tpu.memory_space<vmem>>, vector<16xf32>,
      tpu.vector_store %arg7[%parallel_loop3A_478], %parallel_loop3A_475 {strides = array<i32>} : memref<65536xf32, #tpu.memory_space<vmem>>, vector<16xf32>,
      %parallel_loop3A_480 = arith.select %parallel_loop3A_447, %get3A_37, %get3A_53 : vector<16xi1>, vector<16xf32>
      %parallel_loop3A_481 = arith.select %parallel_loop3A_444, %get3A_21, %parallel_loop3A_480 : vector<16xi1>, vector<16xf32>
      %parallel_loop3A_482 = arith.constant 80 : i32
      %parallel_loop3A_483 = arith.addi %parallel_loop3A_449, %parallel_loop3A_482 : i32
      %parallel_loop3A_484 = arith.index_cast %parallel_loop3A_483 : i32 to index
      %parallel_loop3A_485 = tpu.vector_load %arg7[%parallel_loop3A_484] {strides = array<i32>} : memref<65536xf32, #tpu.memory_space<vmem>>, vector<16xf32>,
      tpu.vector_store %arg7[%parallel_loop3A_484], %parallel_loop3A_481 {strides = array<i32>} : memref<65536xf32, #tpu.memory_space<vmem>>, vector<16xf32>,
      %parallel_loop3A_486 = arith.select %parallel_loop3A_447, %get3A_39, %get3A_55 : vector<16xi1>, vector<16xf32>
      %parallel_loop3A_487 = arith.select %parallel_loop3A_444, %get3A_23, %parallel_loop3A_486 : vector<16xi1>, vector<16xf32>
      %parallel_loop3A_488 = arith.constant 96 : i32
      %parallel_loop3A_489 = arith.addi %parallel_loop3A_449, %parallel_loop3A_488 : i32
      %parallel_loop3A_490 = arith.index_cast %parallel_loop3A_489 : i32 to index
      %parallel_loop3A_491 = tpu.vector_load %arg7[%parallel_loop3A_490] {strides = array<i32>} : memref<65536xf32, #tpu.memory_space<vmem>>, vector<16xf32>,
      tpu.vector_store %arg7[%parallel_loop3A_490], %parallel_loop3A_487 {strides = array<i32>} : memref<65536xf32, #tpu.memory_space<vmem>>, vector<16xf32>,
      %parallel_loop3A_492 = arith.select %parallel_loop3A_447, %get3A_41, %get3A_57 : vector<16xi1>, vector<16xf32>
      %parallel_loop3A_493 = arith.select %parallel_loop3A_444, %get3A_25, %parallel_loop3A_492 : vector<16xi1>, vector<16xf32>
      %parallel_loop3A_494 = arith.constant 112 : i32
      %parallel_loop3A_495 = arith.addi %parallel_loop3A_449, %parallel_loop3A_494 : i32
      %parallel_loop3A_496 = arith.index_cast %parallel_loop3A_495 : i32 to index
      %parallel_loop3A_497 = tpu.vector_load %arg7[%parallel_loop3A_496] {strides = array<i32>} : memref<65536xf32, #tpu.memory_space<vmem>>, vector<16xf32>,
      tpu.vector_store %arg7[%parallel_loop3A_496], %parallel_loop3A_493 {strides = array<i32>} : memref<65536xf32, #tpu.memory_space<vmem>>, vector<16xf32>,
      %parallel_loop3A_498 = arith.constant 7 : i32
      %parallel_loop3A_499 = vector.broadcast %parallel_loop3A_498 : i32 to vector<16xi32>
      %parallel_loop3A_500 = vector.shape_cast %parallel_loop3A_499 : vector<16xi32> to vector<16x1xi32>
      %parallel_loop3A_501 = vector.shape_cast %parallel_loop3A_500 : vector<16x1xi32> to vector<16xi32>
      %parallel_loop3A_502 = tpu.dynamic_gather %parallel_loop3A_68[%parallel_loop3A_501] in [0] : vector<16xi32>, vector<16xi32> -> vector<16xi32>
      %parallel_loop3A_503 = arith.constant 0 : i32
      %parallel_loop3A_504 = vector.broadcast %parallel_loop3A_503 : i32 to vector<16xi32>
      %parallel_loop3A_505 = arith.cmpi eq, %parallel_loop3A_502, %parallel_loop3A_504 : vector<16xi32>
      %parallel_loop3A_506 = arith.constant 1 : i32
      %parallel_loop3A_507 = vector.broadcast %parallel_loop3A_506 : i32 to vector<16xi32>
      %parallel_loop3A_508 = arith.cmpi eq, %parallel_loop3A_502, %parallel_loop3A_507 : vector<16xi32>
      %parallel_loop3A_509 = arith.constant 896 : i32
      %parallel_loop3A_510 = arith.addi %parallel_loop3A_70, %parallel_loop3A_509 : i32
      %parallel_loop3A_511 = arith.select %parallel_loop3A_508, %get3A_27, %get3A_43 : vector<16xi1>, vector<16xf32>
      %parallel_loop3A_512 = arith.select %parallel_loop3A_505, %get3A_11, %parallel_loop3A_511 : vector<16xi1>, vector<16xf32>
      %parallel_loop3A_513 = arith.constant 0 : i32
      %parallel_loop3A_514 = arith.addi %parallel_loop3A_510, %parallel_loop3A_513 : i32
      %parallel_loop3A_515 = arith.index_cast %parallel_loop3A_514 : i32 to index
      %parallel_loop3A_516 = tpu.vector_load %arg7[%parallel_loop3A_515] {strides = array<i32>} : memref<65536xf32, #tpu.memory_space<vmem>>, vector<16xf32>,
      tpu.vector_store %arg7[%parallel_loop3A_515], %parallel_loop3A_512 {strides = array<i32>} : memref<65536xf32, #tpu.memory_space<vmem>>, vector<16xf32>,
      %parallel_loop3A_517 = arith.select %parallel_loop3A_508, %get3A_29, %get3A_45 : vector<16xi1>, vector<16xf32>
      %parallel_loop3A_518 = arith.select %parallel_loop3A_505, %get3A_13, %parallel_loop3A_517 : vector<16xi1>, vector<16xf32>
      %parallel_loop3A_519 = arith.constant 16 : i32
      %parallel_loop3A_520 = arith.addi %parallel_loop3A_510, %parallel_loop3A_519 : i32
      %parallel_loop3A_521 = arith.index_cast %parallel_loop3A_520 : i32 to index
      %parallel_loop3A_522 = tpu.vector_load %arg7[%parallel_loop3A_521] {strides = array<i32>} : memref<65536xf32, #tpu.memory_space<vmem>>, vector<16xf32>,
      tpu.vector_store %arg7[%parallel_loop3A_521], %parallel_loop3A_518 {strides = array<i32>} : memref<65536xf32, #tpu.memory_space<vmem>>, vector<16xf32>,
      %parallel_loop3A_523 = arith.select %parallel_loop3A_508, %get3A_31, %get3A_47 : vector<16xi1>, vector<16xf32>
      %parallel_loop3A_524 = arith.select %parallel_loop3A_505, %get3A_15, %parallel_loop3A_523 : vector<16xi1>, vector<16xf32>
      %parallel_loop3A_525 = arith.constant 32 : i32
      %parallel_loop3A_526 = arith.addi %parallel_loop3A_510, %parallel_loop3A_525 : i32
      %parallel_loop3A_527 = arith.index_cast %parallel_loop3A_526 : i32 to index
      %parallel_loop3A_528 = tpu.vector_load %arg7[%parallel_loop3A_527] {strides = array<i32>} : memref<65536xf32, #tpu.memory_space<vmem>>, vector<16xf32>,
      tpu.vector_store %arg7[%parallel_loop3A_527], %parallel_loop3A_524 {strides = array<i32>} : memref<65536xf32, #tpu.memory_space<vmem>>, vector<16xf32>,
      %parallel_loop3A_529 = arith.select %parallel_loop3A_508, %get3A_33, %get3A_49 : vector<16xi1>, vector<16xf32>
      %parallel_loop3A_530 = arith.select %parallel_loop3A_505, %get3A_17, %parallel_loop3A_529 : vector<16xi1>, vector<16xf32>
      %parallel_loop3A_531 = arith.constant 48 : i32
      %parallel_loop3A_532 = arith.addi %parallel_loop3A_510, %parallel_loop3A_531 : i32
      %parallel_loop3A_533 = arith.index_cast %parallel_loop3A_532 : i32 to index
      %parallel_loop3A_534 = tpu.vector_load %arg7[%parallel_loop3A_533] {strides = array<i32>} : memref<65536xf32, #tpu.memory_space<vmem>>, vector<16xf32>,
      tpu.vector_store %arg7[%parallel_loop3A_533], %parallel_loop3A_530 {strides = array<i32>} : memref<65536xf32, #tpu.memory_space<vmem>>, vector<16xf32>,
      %parallel_loop3A_535 = arith.select %parallel_loop3A_508, %get3A_35, %get3A_51 : vector<16xi1>, vector<16xf32>
      %parallel_loop3A_536 = arith.select %parallel_loop3A_505, %get3A_19, %parallel_loop3A_535 : vector<16xi1>, vector<16xf32>
      %parallel_loop3A_537 = arith.constant 64 : i32
      %parallel_loop3A_538 = arith.addi %parallel_loop3A_510, %parallel_loop3A_537 : i32
      %parallel_loop3A_539 = arith.index_cast %parallel_loop3A_538 : i32 to index
      %parallel_loop3A_540 = tpu.vector_load %arg7[%parallel_loop3A_539] {strides = array<i32>} : memref<65536xf32, #tpu.memory_space<vmem>>, vector<16xf32>,
      tpu.vector_store %arg7[%parallel_loop3A_539], %parallel_loop3A_536 {strides = array<i32>} : memref<65536xf32, #tpu.memory_space<vmem>>, vector<16xf32>,
      %parallel_loop3A_541 = arith.select %parallel_loop3A_508, %get3A_37, %get3A_53 : vector<16xi1>, vector<16xf32>
      %parallel_loop3A_542 = arith.select %parallel_loop3A_505, %get3A_21, %parallel_loop3A_541 : vector<16xi1>, vector<16xf32>
      %parallel_loop3A_543 = arith.constant 80 : i32
      %parallel_loop3A_544 = arith.addi %parallel_loop3A_510, %parallel_loop3A_543 : i32
      %parallel_loop3A_545 = arith.index_cast %parallel_loop3A_544 : i32 to index
      %parallel_loop3A_546 = tpu.vector_load %arg7[%parallel_loop3A_545] {strides = array<i32>} : memref<65536xf32, #tpu.memory_space<vmem>>, vector<16xf32>,
      tpu.vector_store %arg7[%parallel_loop3A_545], %parallel_loop3A_542 {strides = array<i32>} : memref<65536xf32, #tpu.memory_space<vmem>>, vector<16xf32>,
      %parallel_loop3A_547 = arith.select %parallel_loop3A_508, %get3A_39, %get3A_55 : vector<16xi1>, vector<16xf32>
      %parallel_loop3A_548 = arith.select %parallel_loop3A_505, %get3A_23, %parallel_loop3A_547 : vector<16xi1>, vector<16xf32>
      %parallel_loop3A_549 = arith.constant 96 : i32
      %parallel_loop3A_550 = arith.addi %parallel_loop3A_510, %parallel_loop3A_549 : i32
      %parallel_loop3A_551 = arith.index_cast %parallel_loop3A_550 : i32 to index
      %parallel_loop3A_552 = tpu.vector_load %arg7[%parallel_loop3A_551] {strides = array<i32>} : memref<65536xf32, #tpu.memory_space<vmem>>, vector<16xf32>,
      tpu.vector_store %arg7[%parallel_loop3A_551], %parallel_loop3A_548 {strides = array<i32>} : memref<65536xf32, #tpu.memory_space<vmem>>, vector<16xf32>,
      %parallel_loop3A_553 = arith.select %parallel_loop3A_508, %get3A_41, %get3A_57 : vector<16xi1>, vector<16xf32>
      %parallel_loop3A_554 = arith.select %parallel_loop3A_505, %get3A_25, %parallel_loop3A_553 : vector<16xi1>, vector<16xf32>
      %parallel_loop3A_555 = arith.constant 112 : i32
      %parallel_loop3A_556 = arith.addi %parallel_loop3A_510, %parallel_loop3A_555 : i32
      %parallel_loop3A_557 = arith.index_cast %parallel_loop3A_556 : i32 to index
      %parallel_loop3A_558 = tpu.vector_load %arg7[%parallel_loop3A_557] {strides = array<i32>} : memref<65536xf32, #tpu.memory_space<vmem>>, vector<16xf32>,
      tpu.vector_store %arg7[%parallel_loop3A_557], %parallel_loop3A_554 {strides = array<i32>} : memref<65536xf32, #tpu.memory_space<vmem>>, vector<16xf32>,
      %parallel_loop3A_559 = arith.constant 8 : i32
      %parallel_loop3A_560 = vector.broadcast %parallel_loop3A_559 : i32 to vector<16xi32>
      %parallel_loop3A_561 = vector.shape_cast %parallel_loop3A_560 : vector<16xi32> to vector<16x1xi32>
      %parallel_loop3A_562 = vector.shape_cast %parallel_loop3A_561 : vector<16x1xi32> to vector<16xi32>
      %parallel_loop3A_563 = tpu.dynamic_gather %parallel_loop3A_68[%parallel_loop3A_562] in [0] : vector<16xi32>, vector<16xi32> -> vector<16xi32>
      %parallel_loop3A_564 = arith.constant 0 : i32
      %parallel_loop3A_565 = vector.broadcast %parallel_loop3A_564 : i32 to vector<16xi32>
      %parallel_loop3A_566 = arith.cmpi eq, %parallel_loop3A_563, %parallel_loop3A_565 : vector<16xi32>
      %parallel_loop3A_567 = arith.constant 1 : i32
      %parallel_loop3A_568 = vector.broadcast %parallel_loop3A_567 : i32 to vector<16xi32>
      %parallel_loop3A_569 = arith.cmpi eq, %parallel_loop3A_563, %parallel_loop3A_568 : vector<16xi32>
      %parallel_loop3A_570 = arith.constant 1024 : i32
      %parallel_loop3A_571 = arith.addi %parallel_loop3A_70, %parallel_loop3A_570 : i32
      %parallel_loop3A_572 = arith.select %parallel_loop3A_569, %get3A_27, %get3A_43 : vector<16xi1>, vector<16xf32>
      %parallel_loop3A_573 = arith.select %parallel_loop3A_566, %get3A_11, %parallel_loop3A_572 : vector<16xi1>, vector<16xf32>
      %parallel_loop3A_574 = arith.constant 0 : i32
      %parallel_loop3A_575 = arith.addi %parallel_loop3A_571, %parallel_loop3A_574 : i32
      %parallel_loop3A_576 = arith.index_cast %parallel_loop3A_575 : i32 to index
      %parallel_loop3A_577 = tpu.vector_load %arg7[%parallel_loop3A_576] {strides = array<i32>} : memref<65536xf32, #tpu.memory_space<vmem>>, vector<16xf32>,
      tpu.vector_store %arg7[%parallel_loop3A_576], %parallel_loop3A_573 {strides = array<i32>} : memref<65536xf32, #tpu.memory_space<vmem>>, vector<16xf32>,
      %parallel_loop3A_578 = arith.select %parallel_loop3A_569, %get3A_29, %get3A_45 : vector<16xi1>, vector<16xf32>
      %parallel_loop3A_579 = arith.select %parallel_loop3A_566, %get3A_13, %parallel_loop3A_578 : vector<16xi1>, vector<16xf32>
      %parallel_loop3A_580 = arith.constant 16 : i32
      %parallel_loop3A_581 = arith.addi %parallel_loop3A_571, %parallel_loop3A_580 : i32
      %parallel_loop3A_582 = arith.index_cast %parallel_loop3A_581 : i32 to index
      %parallel_loop3A_583 = tpu.vector_load %arg7[%parallel_loop3A_582] {strides = array<i32>} : memref<65536xf32, #tpu.memory_space<vmem>>, vector<16xf32>,
      tpu.vector_store %arg7[%parallel_loop3A_582], %parallel_loop3A_579 {strides = array<i32>} : memref<65536xf32, #tpu.memory_space<vmem>>, vector<16xf32>,
      %parallel_loop3A_584 = arith.select %parallel_loop3A_569, %get3A_31, %get3A_47 : vector<16xi1>, vector<16xf32>
      %parallel_loop3A_585 = arith.select %parallel_loop3A_566, %get3A_15, %parallel_loop3A_584 : vector<16xi1>, vector<16xf32>
      %parallel_loop3A_586 = arith.constant 32 : i32
      %parallel_loop3A_587 = arith.addi %parallel_loop3A_571, %parallel_loop3A_586 : i32
      %parallel_loop3A_588 = arith.index_cast %parallel_loop3A_587 : i32 to index
      %parallel_loop3A_589 = tpu.vector_load %arg7[%parallel_loop3A_588] {strides = array<i32>} : memref<65536xf32, #tpu.memory_space<vmem>>, vector<16xf32>,
      tpu.vector_store %arg7[%parallel_loop3A_588], %parallel_loop3A_585 {strides = array<i32>} : memref<65536xf32, #tpu.memory_space<vmem>>, vector<16xf32>,
      %parallel_loop3A_590 = arith.select %parallel_loop3A_569, %get3A_33, %get3A_49 : vector<16xi1>, vector<16xf32>
      %parallel_loop3A_591 = arith.select %parallel_loop3A_566, %get3A_17, %parallel_loop3A_590 : vector<16xi1>, vector<16xf32>
      %parallel_loop3A_592 = arith.constant 48 : i32
      %parallel_loop3A_593 = arith.addi %parallel_loop3A_571, %parallel_loop3A_592 : i32
      %parallel_loop3A_594 = arith.index_cast %parallel_loop3A_593 : i32 to index
      %parallel_loop3A_595 = tpu.vector_load %arg7[%parallel_loop3A_594] {strides = array<i32>} : memref<65536xf32, #tpu.memory_space<vmem>>, vector<16xf32>,
      tpu.vector_store %arg7[%parallel_loop3A_594], %parallel_loop3A_591 {strides = array<i32>} : memref<65536xf32, #tpu.memory_space<vmem>>, vector<16xf32>,
      %parallel_loop3A_596 = arith.select %parallel_loop3A_569, %get3A_35, %get3A_51 : vector<16xi1>, vector<16xf32>
      %parallel_loop3A_597 = arith.select %parallel_loop3A_566, %get3A_19, %parallel_loop3A_596 : vector<16xi1>, vector<16xf32>
      %parallel_loop3A_598 = arith.constant 64 : i32
      %parallel_loop3A_599 = arith.addi %parallel_loop3A_571, %parallel_loop3A_598 : i32
      %parallel_loop3A_600 = arith.index_cast %parallel_loop3A_599 : i32 to index
      %parallel_loop3A_601 = tpu.vector_load %arg7[%parallel_loop3A_600] {strides = array<i32>} : memref<65536xf32, #tpu.memory_space<vmem>>, vector<16xf32>,
      tpu.vector_store %arg7[%parallel_loop3A_600], %parallel_loop3A_597 {strides = array<i32>} : memref<65536xf32, #tpu.memory_space<vmem>>, vector<16xf32>,
      %parallel_loop3A_602 = arith.select %parallel_loop3A_569, %get3A_37, %get3A_53 : vector<16xi1>, vector<16xf32>
      %parallel_loop3A_603 = arith.select %parallel_loop3A_566, %get3A_21, %parallel_loop3A_602 : vector<16xi1>, vector<16xf32>
      %parallel_loop3A_604 = arith.constant 80 : i32
      %parallel_loop3A_605 = arith.addi %parallel_loop3A_571, %parallel_loop3A_604 : i32
      %parallel_loop3A_606 = arith.index_cast %parallel_loop3A_605 : i32 to index
      %parallel_loop3A_607 = tpu.vector_load %arg7[%parallel_loop3A_606] {strides = array<i32>} : memref<65536xf32, #tpu.memory_space<vmem>>, vector<16xf32>,
      tpu.vector_store %arg7[%parallel_loop3A_606], %parallel_loop3A_603 {strides = array<i32>} : memref<65536xf32, #tpu.memory_space<vmem>>, vector<16xf32>,
      %parallel_loop3A_608 = arith.select %parallel_loop3A_569, %get3A_39, %get3A_55 : vector<16xi1>, vector<16xf32>
      %parallel_loop3A_609 = arith.select %parallel_loop3A_566, %get3A_23, %parallel_loop3A_608 : vector<16xi1>, vector<16xf32>
      %parallel_loop3A_610 = arith.constant 96 : i32
      %parallel_loop3A_611 = arith.addi %parallel_loop3A_571, %parallel_loop3A_610 : i32
      %parallel_loop3A_612 = arith.index_cast %parallel_loop3A_611 : i32 to index
      %parallel_loop3A_613 = tpu.vector_load %arg7[%parallel_loop3A_612] {strides = array<i32>} : memref<65536xf32, #tpu.memory_space<vmem>>, vector<16xf32>,
      tpu.vector_store %arg7[%parallel_loop3A_612], %parallel_loop3A_609 {strides = array<i32>} : memref<65536xf32, #tpu.memory_space<vmem>>, vector<16xf32>,
      %parallel_loop3A_614 = arith.select %parallel_loop3A_569, %get3A_41, %get3A_57 : vector<16xi1>, vector<16xf32>
      %parallel_loop3A_615 = arith.select %parallel_loop3A_566, %get3A_25, %parallel_loop3A_614 : vector<16xi1>, vector<16xf32>
      %parallel_loop3A_616 = arith.constant 112 : i32
      %parallel_loop3A_617 = arith.addi %parallel_loop3A_571, %parallel_loop3A_616 : i32
      %parallel_loop3A_618 = arith.index_cast %parallel_loop3A_617 : i32 to index
      %parallel_loop3A_619 = tpu.vector_load %arg7[%parallel_loop3A_618] {strides = array<i32>} : memref<65536xf32, #tpu.memory_space<vmem>>, vector<16xf32>,
      tpu.vector_store %arg7[%parallel_loop3A_618], %parallel_loop3A_615 {strides = array<i32>} : memref<65536xf32, #tpu.memory_space<vmem>>, vector<16xf32>,
      %parallel_loop3A_620 = arith.constant 9 : i32
      %parallel_loop3A_621 = vector.broadcast %parallel_loop3A_620 : i32 to vector<16xi32>
      %parallel_loop3A_622 = vector.shape_cast %parallel_loop3A_621 : vector<16xi32> to vector<16x1xi32>
      %parallel_loop3A_623 = vector.shape_cast %parallel_loop3A_622 : vector<16x1xi32> to vector<16xi32>
      %parallel_loop3A_624 = tpu.dynamic_gather %parallel_loop3A_68[%parallel_loop3A_623] in [0] : vector<16xi32>, vector<16xi32> -> vector<16xi32>
      %parallel_loop3A_625 = arith.constant 0 : i32
      %parallel_loop3A_626 = vector.broadcast %parallel_loop3A_625 : i32 to vector<16xi32>
      %parallel_loop3A_627 = arith.cmpi eq, %parallel_loop3A_624, %parallel_loop3A_626 : vector<16xi32>
      %parallel_loop3A_628 = arith.constant 1 : i32
      %parallel_loop3A_629 = vector.broadcast %parallel_loop3A_628 : i32 to vector<16xi32>
      %parallel_loop3A_630 = arith.cmpi eq, %parallel_loop3A_624, %parallel_loop3A_629 : vector<16xi32>
      %parallel_loop3A_631 = arith.constant 1152 : i32
      %parallel_loop3A_632 = arith.addi %parallel_loop3A_70, %parallel_loop3A_631 : i32
      %parallel_loop3A_633 = arith.select %parallel_loop3A_630, %get3A_27, %get3A_43 : vector<16xi1>, vector<16xf32>
      %parallel_loop3A_634 = arith.select %parallel_loop3A_627, %get3A_11, %parallel_loop3A_633 : vector<16xi1>, vector<16xf32>
      %parallel_loop3A_635 = arith.constant 0 : i32
      %parallel_loop3A_636 = arith.addi %parallel_loop3A_632, %parallel_loop3A_635 : i32
      %parallel_loop3A_637 = arith.index_cast %parallel_loop3A_636 : i32 to index
      %parallel_loop3A_638 = tpu.vector_load %arg7[%parallel_loop3A_637] {strides = array<i32>} : memref<65536xf32, #tpu.memory_space<vmem>>, vector<16xf32>,
      tpu.vector_store %arg7[%parallel_loop3A_637], %parallel_loop3A_634 {strides = array<i32>} : memref<65536xf32, #tpu.memory_space<vmem>>, vector<16xf32>,
      %parallel_loop3A_639 = arith.select %parallel_loop3A_630, %get3A_29, %get3A_45 : vector<16xi1>, vector<16xf32>
      %parallel_loop3A_640 = arith.select %parallel_loop3A_627, %get3A_13, %parallel_loop3A_639 : vector<16xi1>, vector<16xf32>
      %parallel_loop3A_641 = arith.constant 16 : i32
      %parallel_loop3A_642 = arith.addi %parallel_loop3A_632, %parallel_loop3A_641 : i32
      %parallel_loop3A_643 = arith.index_cast %parallel_loop3A_642 : i32 to index
      %parallel_loop3A_644 = tpu.vector_load %arg7[%parallel_loop3A_643] {strides = array<i32>} : memref<65536xf32, #tpu.memory_space<vmem>>, vector<16xf32>,
      tpu.vector_store %arg7[%parallel_loop3A_643], %parallel_loop3A_640 {strides = array<i32>} : memref<65536xf32, #tpu.memory_space<vmem>>, vector<16xf32>,
      %parallel_loop3A_645 = arith.select %parallel_loop3A_630, %get3A_31, %get3A_47 : vector<16xi1>, vector<16xf32>
      %parallel_loop3A_646 = arith.select %parallel_loop3A_627, %get3A_15, %parallel_loop3A_645 : vector<16xi1>, vector<16xf32>
      %parallel_loop3A_647 = arith.constant 32 : i32
      %parallel_loop3A_648 = arith.addi %parallel_loop3A_632, %parallel_loop3A_647 : i32
      %parallel_loop3A_649 = arith.index_cast %parallel_loop3A_648 : i32 to index
      %parallel_loop3A_650 = tpu.vector_load %arg7[%parallel_loop3A_649] {strides = array<i32>} : memref<65536xf32, #tpu.memory_space<vmem>>, vector<16xf32>,
      tpu.vector_store %arg7[%parallel_loop3A_649], %parallel_loop3A_646 {strides = array<i32>} : memref<65536xf32, #tpu.memory_space<vmem>>, vector<16xf32>,
      %parallel_loop3A_651 = arith.select %parallel_loop3A_630, %get3A_33, %get3A_49 : vector<16xi1>, vector<16xf32>
      %parallel_loop3A_652 = arith.select %parallel_loop3A_627, %get3A_17, %parallel_loop3A_651 : vector<16xi1>, vector<16xf32>
      %parallel_loop3A_653 = arith.constant 48 : i32
      %parallel_loop3A_654 = arith.addi %parallel_loop3A_632, %parallel_loop3A_653 : i32
      %parallel_loop3A_655 = arith.index_cast %parallel_loop3A_654 : i32 to index
      %parallel_loop3A_656 = tpu.vector_load %arg7[%parallel_loop3A_655] {strides = array<i32>} : memref<65536xf32, #tpu.memory_space<vmem>>, vector<16xf32>,
      tpu.vector_store %arg7[%parallel_loop3A_655], %parallel_loop3A_652 {strides = array<i32>} : memref<65536xf32, #tpu.memory_space<vmem>>, vector<16xf32>,
      %parallel_loop3A_657 = arith.select %parallel_loop3A_630, %get3A_35, %get3A_51 : vector<16xi1>, vector<16xf32>
      %parallel_loop3A_658 = arith.select %parallel_loop3A_627, %get3A_19, %parallel_loop3A_657 : vector<16xi1>, vector<16xf32>
      %parallel_loop3A_659 = arith.constant 64 : i32
      %parallel_loop3A_660 = arith.addi %parallel_loop3A_632, %parallel_loop3A_659 : i32
      %parallel_loop3A_661 = arith.index_cast %parallel_loop3A_660 : i32 to index
      %parallel_loop3A_662 = tpu.vector_load %arg7[%parallel_loop3A_661] {strides = array<i32>} : memref<65536xf32, #tpu.memory_space<vmem>>, vector<16xf32>,
      tpu.vector_store %arg7[%parallel_loop3A_661], %parallel_loop3A_658 {strides = array<i32>} : memref<65536xf32, #tpu.memory_space<vmem>>, vector<16xf32>,
      %parallel_loop3A_663 = arith.select %parallel_loop3A_630, %get3A_37, %get3A_53 : vector<16xi1>, vector<16xf32>
      %parallel_loop3A_664 = arith.select %parallel_loop3A_627, %get3A_21, %parallel_loop3A_663 : vector<16xi1>, vector<16xf32>
      %parallel_loop3A_665 = arith.constant 80 : i32
      %parallel_loop3A_666 = arith.addi %parallel_loop3A_632, %parallel_loop3A_665 : i32
      %parallel_loop3A_667 = arith.index_cast %parallel_loop3A_666 : i32 to index
      %parallel_loop3A_668 = tpu.vector_load %arg7[%parallel_loop3A_667] {strides = array<i32>} : memref<65536xf32, #tpu.memory_space<vmem>>, vector<16xf32>,
      tpu.vector_store %arg7[%parallel_loop3A_667], %parallel_loop3A_664 {strides = array<i32>} : memref<65536xf32, #tpu.memory_space<vmem>>, vector<16xf32>,
      %parallel_loop3A_669 = arith.select %parallel_loop3A_630, %get3A_39, %get3A_55 : vector<16xi1>, vector<16xf32>
      %parallel_loop3A_670 = arith.select %parallel_loop3A_627, %get3A_23, %parallel_loop3A_669 : vector<16xi1>, vector<16xf32>
      %parallel_loop3A_671 = arith.constant 96 : i32
      %parallel_loop3A_672 = arith.addi %parallel_loop3A_632, %parallel_loop3A_671 : i32
      %parallel_loop3A_673 = arith.index_cast %parallel_loop3A_672 : i32 to index
      %parallel_loop3A_674 = tpu.vector_load %arg7[%parallel_loop3A_673] {strides = array<i32>} : memref<65536xf32, #tpu.memory_space<vmem>>, vector<16xf32>,
      tpu.vector_store %arg7[%parallel_loop3A_673], %parallel_loop3A_670 {strides = array<i32>} : memref<65536xf32, #tpu.memory_space<vmem>>, vector<16xf32>,
      %parallel_loop3A_675 = arith.select %parallel_loop3A_630, %get3A_41, %get3A_57 : vector<16xi1>, vector<16xf32>
      %parallel_loop3A_676 = arith.select %parallel_loop3A_627, %get3A_25, %parallel_loop3A_675 : vector<16xi1>, vector<16xf32>
      %parallel_loop3A_677 = arith.constant 112 : i32
      %parallel_loop3A_678 = arith.addi %parallel_loop3A_632, %parallel_loop3A_677 : i32
      %parallel_loop3A_679 = arith.index_cast %parallel_loop3A_678 : i32 to index
      %parallel_loop3A_680 = tpu.vector_load %arg7[%parallel_loop3A_679] {strides = array<i32>} : memref<65536xf32, #tpu.memory_space<vmem>>, vector<16xf32>,
      tpu.vector_store %arg7[%parallel_loop3A_679], %parallel_loop3A_676 {strides = array<i32>} : memref<65536xf32, #tpu.memory_space<vmem>>, vector<16xf32>,
      %parallel_loop3A_681 = arith.constant 10 : i32
      %parallel_loop3A_682 = vector.broadcast %parallel_loop3A_681 : i32 to vector<16xi32>
      %parallel_loop3A_683 = vector.shape_cast %parallel_loop3A_682 : vector<16xi32> to vector<16x1xi32>
      %parallel_loop3A_684 = vector.shape_cast %parallel_loop3A_683 : vector<16x1xi32> to vector<16xi32>
      %parallel_loop3A_685 = tpu.dynamic_gather %parallel_loop3A_68[%parallel_loop3A_684] in [0] : vector<16xi32>, vector<16xi32> -> vector<16xi32>
      %parallel_loop3A_686 = arith.constant 0 : i32
      %parallel_loop3A_687 = vector.broadcast %parallel_loop3A_686 : i32 to vector<16xi32>
      %parallel_loop3A_688 = arith.cmpi eq, %parallel_loop3A_685, %parallel_loop3A_687 : vector<16xi32>
      %parallel_loop3A_689 = arith.constant 1 : i32
      %parallel_loop3A_690 = vector.broadcast %parallel_loop3A_689 : i32 to vector<16xi32>
      %parallel_loop3A_691 = arith.cmpi eq, %parallel_loop3A_685, %parallel_loop3A_690 : vector<16xi32>
      %parallel_loop3A_692 = arith.constant 1280 : i32
      %parallel_loop3A_693 = arith.addi %parallel_loop3A_70, %parallel_loop3A_692 : i32
      %parallel_loop3A_694 = arith.select %parallel_loop3A_691, %get3A_27, %get3A_43 : vector<16xi1>, vector<16xf32>
      %parallel_loop3A_695 = arith.select %parallel_loop3A_688, %get3A_11, %parallel_loop3A_694 : vector<16xi1>, vector<16xf32>
      %parallel_loop3A_696 = arith.constant 0 : i32
      %parallel_loop3A_697 = arith.addi %parallel_loop3A_693, %parallel_loop3A_696 : i32
      %parallel_loop3A_698 = arith.index_cast %parallel_loop3A_697 : i32 to index
      %parallel_loop3A_699 = tpu.vector_load %arg7[%parallel_loop3A_698] {strides = array<i32>} : memref<65536xf32, #tpu.memory_space<vmem>>, vector<16xf32>,
      tpu.vector_store %arg7[%parallel_loop3A_698], %parallel_loop3A_695 {strides = array<i32>} : memref<65536xf32, #tpu.memory_space<vmem>>, vector<16xf32>,
      %parallel_loop3A_700 = arith.select %parallel_loop3A_691, %get3A_29, %get3A_45 : vector<16xi1>, vector<16xf32>
      %parallel_loop3A_701 = arith.select %parallel_loop3A_688, %get3A_13, %parallel_loop3A_700 : vector<16xi1>, vector<16xf32>
      %parallel_loop3A_702 = arith.constant 16 : i32
      %parallel_loop3A_703 = arith.addi %parallel_loop3A_693, %parallel_loop3A_702 : i32
      %parallel_loop3A_704 = arith.index_cast %parallel_loop3A_703 : i32 to index
      %parallel_loop3A_705 = tpu.vector_load %arg7[%parallel_loop3A_704] {strides = array<i32>} : memref<65536xf32, #tpu.memory_space<vmem>>, vector<16xf32>,
      tpu.vector_store %arg7[%parallel_loop3A_704], %parallel_loop3A_701 {strides = array<i32>} : memref<65536xf32, #tpu.memory_space<vmem>>, vector<16xf32>,
      %parallel_loop3A_706 = arith.select %parallel_loop3A_691, %get3A_31, %get3A_47 : vector<16xi1>, vector<16xf32>
      %parallel_loop3A_707 = arith.select %parallel_loop3A_688, %get3A_15, %parallel_loop3A_706 : vector<16xi1>, vector<16xf32>
      %parallel_loop3A_708 = arith.constant 32 : i32
      %parallel_loop3A_709 = arith.addi %parallel_loop3A_693, %parallel_loop3A_708 : i32
      %parallel_loop3A_710 = arith.index_cast %parallel_loop3A_709 : i32 to index
      %parallel_loop3A_711 = tpu.vector_load %arg7[%parallel_loop3A_710] {strides = array<i32>} : memref<65536xf32, #tpu.memory_space<vmem>>, vector<16xf32>,
      tpu.vector_store %arg7[%parallel_loop3A_710], %parallel_loop3A_707 {strides = array<i32>} : memref<65536xf32, #tpu.memory_space<vmem>>, vector<16xf32>,
      %parallel_loop3A_712 = arith.select %parallel_loop3A_691, %get3A_33, %get3A_49 : vector<16xi1>, vector<16xf32>
      %parallel_loop3A_713 = arith.select %parallel_loop3A_688, %get3A_17, %parallel_loop3A_712 : vector<16xi1>, vector<16xf32>
      %parallel_loop3A_714 = arith.constant 48 : i32
      %parallel_loop3A_715 = arith.addi %parallel_loop3A_693, %parallel_loop3A_714 : i32
      %parallel_loop3A_716 = arith.index_cast %parallel_loop3A_715 : i32 to index
      %parallel_loop3A_717 = tpu.vector_load %arg7[%parallel_loop3A_716] {strides = array<i32>} : memref<65536xf32, #tpu.memory_space<vmem>>, vector<16xf32>,
      tpu.vector_store %arg7[%parallel_loop3A_716], %parallel_loop3A_713 {strides = array<i32>} : memref<65536xf32, #tpu.memory_space<vmem>>, vector<16xf32>,
      %parallel_loop3A_718 = arith.select %parallel_loop3A_691, %get3A_35, %get3A_51 : vector<16xi1>, vector<16xf32>
      %parallel_loop3A_719 = arith.select %parallel_loop3A_688, %get3A_19, %parallel_loop3A_718 : vector<16xi1>, vector<16xf32>
      %parallel_loop3A_720 = arith.constant 64 : i32
      %parallel_loop3A_721 = arith.addi %parallel_loop3A_693, %parallel_loop3A_720 : i32
      %parallel_loop3A_722 = arith.index_cast %parallel_loop3A_721 : i32 to index
      %parallel_loop3A_723 = tpu.vector_load %arg7[%parallel_loop3A_722] {strides = array<i32>} : memref<65536xf32, #tpu.memory_space<vmem>>, vector<16xf32>,
      tpu.vector_store %arg7[%parallel_loop3A_722], %parallel_loop3A_719 {strides = array<i32>} : memref<65536xf32, #tpu.memory_space<vmem>>, vector<16xf32>,
      %parallel_loop3A_724 = arith.select %parallel_loop3A_691, %get3A_37, %get3A_53 : vector<16xi1>, vector<16xf32>
      %parallel_loop3A_725 = arith.select %parallel_loop3A_688, %get3A_21, %parallel_loop3A_724 : vector<16xi1>, vector<16xf32>
      %parallel_loop3A_726 = arith.constant 80 : i32
      %parallel_loop3A_727 = arith.addi %parallel_loop3A_693, %parallel_loop3A_726 : i32
      %parallel_loop3A_728 = arith.index_cast %parallel_loop3A_727 : i32 to index
      %parallel_loop3A_729 = tpu.vector_load %arg7[%parallel_loop3A_728] {strides = array<i32>} : memref<65536xf32, #tpu.memory_space<vmem>>, vector<16xf32>,
      tpu.vector_store %arg7[%parallel_loop3A_728], %parallel_loop3A_725 {strides = array<i32>} : memref<65536xf32, #tpu.memory_space<vmem>>, vector<16xf32>,
      %parallel_loop3A_730 = arith.select %parallel_loop3A_691, %get3A_39, %get3A_55 : vector<16xi1>, vector<16xf32>
      %parallel_loop3A_731 = arith.select %parallel_loop3A_688, %get3A_23, %parallel_loop3A_730 : vector<16xi1>, vector<16xf32>
      %parallel_loop3A_732 = arith.constant 96 : i32
      %parallel_loop3A_733 = arith.addi %parallel_loop3A_693, %parallel_loop3A_732 : i32
      %parallel_loop3A_734 = arith.index_cast %parallel_loop3A_733 : i32 to index
      %parallel_loop3A_735 = tpu.vector_load %arg7[%parallel_loop3A_734] {strides = array<i32>} : memref<65536xf32, #tpu.memory_space<vmem>>, vector<16xf32>,
      tpu.vector_store %arg7[%parallel_loop3A_734], %parallel_loop3A_731 {strides = array<i32>} : memref<65536xf32, #tpu.memory_space<vmem>>, vector<16xf32>,
      %parallel_loop3A_736 = arith.select %parallel_loop3A_691, %get3A_41, %get3A_57 : vector<16xi1>, vector<16xf32>
      %parallel_loop3A_737 = arith.select %parallel_loop3A_688, %get3A_25, %parallel_loop3A_736 : vector<16xi1>, vector<16xf32>
      %parallel_loop3A_738 = arith.constant 112 : i32
      %parallel_loop3A_739 = arith.addi %parallel_loop3A_693, %parallel_loop3A_738 : i32
      %parallel_loop3A_740 = arith.index_cast %parallel_loop3A_739 : i32 to index
      %parallel_loop3A_741 = tpu.vector_load %arg7[%parallel_loop3A_740] {strides = array<i32>} : memref<65536xf32, #tpu.memory_space<vmem>>, vector<16xf32>,
      tpu.vector_store %arg7[%parallel_loop3A_740], %parallel_loop3A_737 {strides = array<i32>} : memref<65536xf32, #tpu.memory_space<vmem>>, vector<16xf32>,
      %parallel_loop3A_742 = arith.constant 11 : i32
      %parallel_loop3A_743 = vector.broadcast %parallel_loop3A_742 : i32 to vector<16xi32>
      %parallel_loop3A_744 = vector.shape_cast %parallel_loop3A_743 : vector<16xi32> to vector<16x1xi32>
      %parallel_loop3A_745 = vector.shape_cast %parallel_loop3A_744 : vector<16x1xi32> to vector<16xi32>
      %parallel_loop3A_746 = tpu.dynamic_gather %parallel_loop3A_68[%parallel_loop3A_745] in [0] : vector<16xi32>, vector<16xi32> -> vector<16xi32>
      %parallel_loop3A_747 = arith.constant 0 : i32
      %parallel_loop3A_748 = vector.broadcast %parallel_loop3A_747 : i32 to vector<16xi32>
      %parallel_loop3A_749 = arith.cmpi eq, %parallel_loop3A_746, %parallel_loop3A_748 : vector<16xi32>
      %parallel_loop3A_750 = arith.constant 1 : i32
      %parallel_loop3A_751 = vector.broadcast %parallel_loop3A_750 : i32 to vector<16xi32>
      %parallel_loop3A_752 = arith.cmpi eq, %parallel_loop3A_746, %parallel_loop3A_751 : vector<16xi32>
      %parallel_loop3A_753 = arith.constant 1408 : i32
      %parallel_loop3A_754 = arith.addi %parallel_loop3A_70, %parallel_loop3A_753 : i32
      %parallel_loop3A_755 = arith.select %parallel_loop3A_752, %get3A_27, %get3A_43 : vector<16xi1>, vector<16xf32>
      %parallel_loop3A_756 = arith.select %parallel_loop3A_749, %get3A_11, %parallel_loop3A_755 : vector<16xi1>, vector<16xf32>
      %parallel_loop3A_757 = arith.constant 0 : i32
      %parallel_loop3A_758 = arith.addi %parallel_loop3A_754, %parallel_loop3A_757 : i32
      %parallel_loop3A_759 = arith.index_cast %parallel_loop3A_758 : i32 to index
      %parallel_loop3A_760 = tpu.vector_load %arg7[%parallel_loop3A_759] {strides = array<i32>} : memref<65536xf32, #tpu.memory_space<vmem>>, vector<16xf32>,
      tpu.vector_store %arg7[%parallel_loop3A_759], %parallel_loop3A_756 {strides = array<i32>} : memref<65536xf32, #tpu.memory_space<vmem>>, vector<16xf32>,
      %parallel_loop3A_761 = arith.select %parallel_loop3A_752, %get3A_29, %get3A_45 : vector<16xi1>, vector<16xf32>
      %parallel_loop3A_762 = arith.select %parallel_loop3A_749, %get3A_13, %parallel_loop3A_761 : vector<16xi1>, vector<16xf32>
      %parallel_loop3A_763 = arith.constant 16 : i32
      %parallel_loop3A_764 = arith.addi %parallel_loop3A_754, %parallel_loop3A_763 : i32
      %parallel_loop3A_765 = arith.index_cast %parallel_loop3A_764 : i32 to index
      %parallel_loop3A_766 = tpu.vector_load %arg7[%parallel_loop3A_765] {strides = array<i32>} : memref<65536xf32, #tpu.memory_space<vmem>>, vector<16xf32>,
      tpu.vector_store %arg7[%parallel_loop3A_765], %parallel_loop3A_762 {strides = array<i32>} : memref<65536xf32, #tpu.memory_space<vmem>>, vector<16xf32>,
      %parallel_loop3A_767 = arith.select %parallel_loop3A_752, %get3A_31, %get3A_47 : vector<16xi1>, vector<16xf32>
      %parallel_loop3A_768 = arith.select %parallel_loop3A_749, %get3A_15, %parallel_loop3A_767 : vector<16xi1>, vector<16xf32>
      %parallel_loop3A_769 = arith.constant 32 : i32
      %parallel_loop3A_770 = arith.addi %parallel_loop3A_754, %parallel_loop3A_769 : i32
      %parallel_loop3A_771 = arith.index_cast %parallel_loop3A_770 : i32 to index
      %parallel_loop3A_772 = tpu.vector_load %arg7[%parallel_loop3A_771] {strides = array<i32>} : memref<65536xf32, #tpu.memory_space<vmem>>, vector<16xf32>,
      tpu.vector_store %arg7[%parallel_loop3A_771], %parallel_loop3A_768 {strides = array<i32>} : memref<65536xf32, #tpu.memory_space<vmem>>, vector<16xf32>,
      %parallel_loop3A_773 = arith.select %parallel_loop3A_752, %get3A_33, %get3A_49 : vector<16xi1>, vector<16xf32>
      %parallel_loop3A_774 = arith.select %parallel_loop3A_749, %get3A_17, %parallel_loop3A_773 : vector<16xi1>, vector<16xf32>
      %parallel_loop3A_775 = arith.constant 48 : i32
      %parallel_loop3A_776 = arith.addi %parallel_loop3A_754, %parallel_loop3A_775 : i32
      %parallel_loop3A_777 = arith.index_cast %parallel_loop3A_776 : i32 to index
      %parallel_loop3A_778 = tpu.vector_load %arg7[%parallel_loop3A_777] {strides = array<i32>} : memref<65536xf32, #tpu.memory_space<vmem>>, vector<16xf32>,
      tpu.vector_store %arg7[%parallel_loop3A_777], %parallel_loop3A_774 {strides = array<i32>} : memref<65536xf32, #tpu.memory_space<vmem>>, vector<16xf32>,
      %parallel_loop3A_779 = arith.select %parallel_loop3A_752, %get3A_35, %get3A_51 : vector<16xi1>, vector<16xf32>
      %parallel_loop3A_780 = arith.select %parallel_loop3A_749, %get3A_19, %parallel_loop3A_779 : vector<16xi1>, vector<16xf32>
      %parallel_loop3A_781 = arith.constant 64 : i32
      %parallel_loop3A_782 = arith.addi %parallel_loop3A_754, %parallel_loop3A_781 : i32
      %parallel_loop3A_783 = arith.index_cast %parallel_loop3A_782 : i32 to index
      %parallel_loop3A_784 = tpu.vector_load %arg7[%parallel_loop3A_783] {strides = array<i32>} : memref<65536xf32, #tpu.memory_space<vmem>>, vector<16xf32>,
      tpu.vector_store %arg7[%parallel_loop3A_783], %parallel_loop3A_780 {strides = array<i32>} : memref<65536xf32, #tpu.memory_space<vmem>>, vector<16xf32>,
      %parallel_loop3A_785 = arith.select %parallel_loop3A_752, %get3A_37, %get3A_53 : vector<16xi1>, vector<16xf32>
      %parallel_loop3A_786 = arith.select %parallel_loop3A_749, %get3A_21, %parallel_loop3A_785 : vector<16xi1>, vector<16xf32>
      %parallel_loop3A_787 = arith.constant 80 : i32
      %parallel_loop3A_788 = arith.addi %parallel_loop3A_754, %parallel_loop3A_787 : i32
      %parallel_loop3A_789 = arith.index_cast %parallel_loop3A_788 : i32 to index
      %parallel_loop3A_790 = tpu.vector_load %arg7[%parallel_loop3A_789] {strides = array<i32>} : memref<65536xf32, #tpu.memory_space<vmem>>, vector<16xf32>,
      tpu.vector_store %arg7[%parallel_loop3A_789], %parallel_loop3A_786 {strides = array<i32>} : memref<65536xf32, #tpu.memory_space<vmem>>, vector<16xf32>,
      %parallel_loop3A_791 = arith.select %parallel_loop3A_752, %get3A_39, %get3A_55 : vector<16xi1>, vector<16xf32>
      %parallel_loop3A_792 = arith.select %parallel_loop3A_749, %get3A_23, %parallel_loop3A_791 : vector<16xi1>, vector<16xf32>
      %parallel_loop3A_793 = arith.constant 96 : i32
      %parallel_loop3A_794 = arith.addi %parallel_loop3A_754, %parallel_loop3A_793 : i32
      %parallel_loop3A_795 = arith.index_cast %parallel_loop3A_794 : i32 to index
      %parallel_loop3A_796 = tpu.vector_load %arg7[%parallel_loop3A_795] {strides = array<i32>} : memref<65536xf32, #tpu.memory_space<vmem>>, vector<16xf32>,
      tpu.vector_store %arg7[%parallel_loop3A_795], %parallel_loop3A_792 {strides = array<i32>} : memref<65536xf32, #tpu.memory_space<vmem>>, vector<16xf32>,
      %parallel_loop3A_797 = arith.select %parallel_loop3A_752, %get3A_41, %get3A_57 : vector<16xi1>, vector<16xf32>
      %parallel_loop3A_798 = arith.select %parallel_loop3A_749, %get3A_25, %parallel_loop3A_797 : vector<16xi1>, vector<16xf32>
      %parallel_loop3A_799 = arith.constant 112 : i32
      %parallel_loop3A_800 = arith.addi %parallel_loop3A_754, %parallel_loop3A_799 : i32
      %parallel_loop3A_801 = arith.index_cast %parallel_loop3A_800 : i32 to index
      %parallel_loop3A_802 = tpu.vector_load %arg7[%parallel_loop3A_801] {strides = array<i32>} : memref<65536xf32, #tpu.memory_space<vmem>>, vector<16xf32>,
      tpu.vector_store %arg7[%parallel_loop3A_801], %parallel_loop3A_798 {strides = array<i32>} : memref<65536xf32, #tpu.memory_space<vmem>>, vector<16xf32>,
      %parallel_loop3A_803 = arith.constant 12 : i32
      %parallel_loop3A_804 = vector.broadcast %parallel_loop3A_803 : i32 to vector<16xi32>
      %parallel_loop3A_805 = vector.shape_cast %parallel_loop3A_804 : vector<16xi32> to vector<16x1xi32>
      %parallel_loop3A_806 = vector.shape_cast %parallel_loop3A_805 : vector<16x1xi32> to vector<16xi32>
      %parallel_loop3A_807 = tpu.dynamic_gather %parallel_loop3A_68[%parallel_loop3A_806] in [0] : vector<16xi32>, vector<16xi32> -> vector<16xi32>
      %parallel_loop3A_808 = arith.constant 0 : i32
      %parallel_loop3A_809 = vector.broadcast %parallel_loop3A_808 : i32 to vector<16xi32>
      %parallel_loop3A_810 = arith.cmpi eq, %parallel_loop3A_807, %parallel_loop3A_809 : vector<16xi32>
      %parallel_loop3A_811 = arith.constant 1 : i32
      %parallel_loop3A_812 = vector.broadcast %parallel_loop3A_811 : i32 to vector<16xi32>
      %parallel_loop3A_813 = arith.cmpi eq, %parallel_loop3A_807, %parallel_loop3A_812 : vector<16xi32>
      %parallel_loop3A_814 = arith.constant 1536 : i32
      %parallel_loop3A_815 = arith.addi %parallel_loop3A_70, %parallel_loop3A_814 : i32
      %parallel_loop3A_816 = arith.select %parallel_loop3A_813, %get3A_27, %get3A_43 : vector<16xi1>, vector<16xf32>
      %parallel_loop3A_817 = arith.select %parallel_loop3A_810, %get3A_11, %parallel_loop3A_816 : vector<16xi1>, vector<16xf32>
      %parallel_loop3A_818 = arith.constant 0 : i32
      %parallel_loop3A_819 = arith.addi %parallel_loop3A_815, %parallel_loop3A_818 : i32
      %parallel_loop3A_820 = arith.index_cast %parallel_loop3A_819 : i32 to index
      %parallel_loop3A_821 = tpu.vector_load %arg7[%parallel_loop3A_820] {strides = array<i32>} : memref<65536xf32, #tpu.memory_space<vmem>>, vector<16xf32>,
      tpu.vector_store %arg7[%parallel_loop3A_820], %parallel_loop3A_817 {strides = array<i32>} : memref<65536xf32, #tpu.memory_space<vmem>>, vector<16xf32>,
      %parallel_loop3A_822 = arith.select %parallel_loop3A_813, %get3A_29, %get3A_45 : vector<16xi1>, vector<16xf32>
      %parallel_loop3A_823 = arith.select %parallel_loop3A_810, %get3A_13, %parallel_loop3A_822 : vector<16xi1>, vector<16xf32>
      %parallel_loop3A_824 = arith.constant 16 : i32
      %parallel_loop3A_825 = arith.addi %parallel_loop3A_815, %parallel_loop3A_824 : i32
      %parallel_loop3A_826 = arith.index_cast %parallel_loop3A_825 : i32 to index
      %parallel_loop3A_827 = tpu.vector_load %arg7[%parallel_loop3A_826] {strides = array<i32>} : memref<65536xf32, #tpu.memory_space<vmem>>, vector<16xf32>,
      tpu.vector_store %arg7[%parallel_loop3A_826], %parallel_loop3A_823 {strides = array<i32>} : memref<65536xf32, #tpu.memory_space<vmem>>, vector<16xf32>,
      %parallel_loop3A_828 = arith.select %parallel_loop3A_813, %get3A_31, %get3A_47 : vector<16xi1>, vector<16xf32>
      %parallel_loop3A_829 = arith.select %parallel_loop3A_810, %get3A_15, %parallel_loop3A_828 : vector<16xi1>, vector<16xf32>
      %parallel_loop3A_830 = arith.constant 32 : i32
      %parallel_loop3A_831 = arith.addi %parallel_loop3A_815, %parallel_loop3A_830 : i32
      %parallel_loop3A_832 = arith.index_cast %parallel_loop3A_831 : i32 to index
      %parallel_loop3A_833 = tpu.vector_load %arg7[%parallel_loop3A_832] {strides = array<i32>} : memref<65536xf32, #tpu.memory_space<vmem>>, vector<16xf32>,
      tpu.vector_store %arg7[%parallel_loop3A_832], %parallel_loop3A_829 {strides = array<i32>} : memref<65536xf32, #tpu.memory_space<vmem>>, vector<16xf32>,
      %parallel_loop3A_834 = arith.select %parallel_loop3A_813, %get3A_33, %get3A_49 : vector<16xi1>, vector<16xf32>
      %parallel_loop3A_835 = arith.select %parallel_loop3A_810, %get3A_17, %parallel_loop3A_834 : vector<16xi1>, vector<16xf32>
      %parallel_loop3A_836 = arith.constant 48 : i32
      %parallel_loop3A_837 = arith.addi %parallel_loop3A_815, %parallel_loop3A_836 : i32
      %parallel_loop3A_838 = arith.index_cast %parallel_loop3A_837 : i32 to index
      %parallel_loop3A_839 = tpu.vector_load %arg7[%parallel_loop3A_838] {strides = array<i32>} : memref<65536xf32, #tpu.memory_space<vmem>>, vector<16xf32>,
      tpu.vector_store %arg7[%parallel_loop3A_838], %parallel_loop3A_835 {strides = array<i32>} : memref<65536xf32, #tpu.memory_space<vmem>>, vector<16xf32>,
      %parallel_loop3A_840 = arith.select %parallel_loop3A_813, %get3A_35, %get3A_51 : vector<16xi1>, vector<16xf32>
      %parallel_loop3A_841 = arith.select %parallel_loop3A_810, %get3A_19, %parallel_loop3A_840 : vector<16xi1>, vector<16xf32>
      %parallel_loop3A_842 = arith.constant 64 : i32
      %parallel_loop3A_843 = arith.addi %parallel_loop3A_815, %parallel_loop3A_842 : i32
      %parallel_loop3A_844 = arith.index_cast %parallel_loop3A_843 : i32 to index
      %parallel_loop3A_845 = tpu.vector_load %arg7[%parallel_loop3A_844] {strides = array<i32>} : memref<65536xf32, #tpu.memory_space<vmem>>, vector<16xf32>,
      tpu.vector_store %arg7[%parallel_loop3A_844], %parallel_loop3A_841 {strides = array<i32>} : memref<65536xf32, #tpu.memory_space<vmem>>, vector<16xf32>,
      %parallel_loop3A_846 = arith.select %parallel_loop3A_813, %get3A_37, %get3A_53 : vector<16xi1>, vector<16xf32>
      %parallel_loop3A_847 = arith.select %parallel_loop3A_810, %get3A_21, %parallel_loop3A_846 : vector<16xi1>, vector<16xf32>
      %parallel_loop3A_848 = arith.constant 80 : i32
      %parallel_loop3A_849 = arith.addi %parallel_loop3A_815, %parallel_loop3A_848 : i32
      %parallel_loop3A_850 = arith.index_cast %parallel_loop3A_849 : i32 to index
      %parallel_loop3A_851 = tpu.vector_load %arg7[%parallel_loop3A_850] {strides = array<i32>} : memref<65536xf32, #tpu.memory_space<vmem>>, vector<16xf32>,
      tpu.vector_store %arg7[%parallel_loop3A_850], %parallel_loop3A_847 {strides = array<i32>} : memref<65536xf32, #tpu.memory_space<vmem>>, vector<16xf32>,
      %parallel_loop3A_852 = arith.select %parallel_loop3A_813, %get3A_39, %get3A_55 : vector<16xi1>, vector<16xf32>
      %parallel_loop3A_853 = arith.select %parallel_loop3A_810, %get3A_23, %parallel_loop3A_852 : vector<16xi1>, vector<16xf32>
      %parallel_loop3A_854 = arith.constant 96 : i32
      %parallel_loop3A_855 = arith.addi %parallel_loop3A_815, %parallel_loop3A_854 : i32
      %parallel_loop3A_856 = arith.index_cast %parallel_loop3A_855 : i32 to index
      %parallel_loop3A_857 = tpu.vector_load %arg7[%parallel_loop3A_856] {strides = array<i32>} : memref<65536xf32, #tpu.memory_space<vmem>>, vector<16xf32>,
      tpu.vector_store %arg7[%parallel_loop3A_856], %parallel_loop3A_853 {strides = array<i32>} : memref<65536xf32, #tpu.memory_space<vmem>>, vector<16xf32>,
      %parallel_loop3A_858 = arith.select %parallel_loop3A_813, %get3A_41, %get3A_57 : vector<16xi1>, vector<16xf32>
      %parallel_loop3A_859 = arith.select %parallel_loop3A_810, %get3A_25, %parallel_loop3A_858 : vector<16xi1>, vector<16xf32>
      %parallel_loop3A_860 = arith.constant 112 : i32
      %parallel_loop3A_861 = arith.addi %parallel_loop3A_815, %parallel_loop3A_860 : i32
      %parallel_loop3A_862 = arith.index_cast %parallel_loop3A_861 : i32 to index
      %parallel_loop3A_863 = tpu.vector_load %arg7[%parallel_loop3A_862] {strides = array<i32>} : memref<65536xf32, #tpu.memory_space<vmem>>, vector<16xf32>,
      tpu.vector_store %arg7[%parallel_loop3A_862], %parallel_loop3A_859 {strides = array<i32>} : memref<65536xf32, #tpu.memory_space<vmem>>, vector<16xf32>,
      %parallel_loop3A_864 = arith.constant 13 : i32
      %parallel_loop3A_865 = vector.broadcast %parallel_loop3A_864 : i32 to vector<16xi32>
      %parallel_loop3A_866 = vector.shape_cast %parallel_loop3A_865 : vector<16xi32> to vector<16x1xi32>
      %parallel_loop3A_867 = vector.shape_cast %parallel_loop3A_866 : vector<16x1xi32> to vector<16xi32>
      %parallel_loop3A_868 = tpu.dynamic_gather %parallel_loop3A_68[%parallel_loop3A_867] in [0] : vector<16xi32>, vector<16xi32> -> vector<16xi32>
      %parallel_loop3A_869 = arith.constant 0 : i32
      %parallel_loop3A_870 = vector.broadcast %parallel_loop3A_869 : i32 to vector<16xi32>
      %parallel_loop3A_871 = arith.cmpi eq, %parallel_loop3A_868, %parallel_loop3A_870 : vector<16xi32>
      %parallel_loop3A_872 = arith.constant 1 : i32
      %parallel_loop3A_873 = vector.broadcast %parallel_loop3A_872 : i32 to vector<16xi32>
      %parallel_loop3A_874 = arith.cmpi eq, %parallel_loop3A_868, %parallel_loop3A_873 : vector<16xi32>
      %parallel_loop3A_875 = arith.constant 1664 : i32
      %parallel_loop3A_876 = arith.addi %parallel_loop3A_70, %parallel_loop3A_875 : i32
      %parallel_loop3A_877 = arith.select %parallel_loop3A_874, %get3A_27, %get3A_43 : vector<16xi1>, vector<16xf32>
      %parallel_loop3A_878 = arith.select %parallel_loop3A_871, %get3A_11, %parallel_loop3A_877 : vector<16xi1>, vector<16xf32>
      %parallel_loop3A_879 = arith.constant 0 : i32
      %parallel_loop3A_880 = arith.addi %parallel_loop3A_876, %parallel_loop3A_879 : i32
      %parallel_loop3A_881 = arith.index_cast %parallel_loop3A_880 : i32 to index
      %parallel_loop3A_882 = tpu.vector_load %arg7[%parallel_loop3A_881] {strides = array<i32>} : memref<65536xf32, #tpu.memory_space<vmem>>, vector<16xf32>,
      tpu.vector_store %arg7[%parallel_loop3A_881], %parallel_loop3A_878 {strides = array<i32>} : memref<65536xf32, #tpu.memory_space<vmem>>, vector<16xf32>,
      %parallel_loop3A_883 = arith.select %parallel_loop3A_874, %get3A_29, %get3A_45 : vector<16xi1>, vector<16xf32>
      %parallel_loop3A_884 = arith.select %parallel_loop3A_871, %get3A_13, %parallel_loop3A_883 : vector<16xi1>, vector<16xf32>
      %parallel_loop3A_885 = arith.constant 16 : i32
      %parallel_loop3A_886 = arith.addi %parallel_loop3A_876, %parallel_loop3A_885 : i32
      %parallel_loop3A_887 = arith.index_cast %parallel_loop3A_886 : i32 to index
      %parallel_loop3A_888 = tpu.vector_load %arg7[%parallel_loop3A_887] {strides = array<i32>} : memref<65536xf32, #tpu.memory_space<vmem>>, vector<16xf32>,
      tpu.vector_store %arg7[%parallel_loop3A_887], %parallel_loop3A_884 {strides = array<i32>} : memref<65536xf32, #tpu.memory_space<vmem>>, vector<16xf32>,
      %parallel_loop3A_889 = arith.select %parallel_loop3A_874, %get3A_31, %get3A_47 : vector<16xi1>, vector<16xf32>
      %parallel_loop3A_890 = arith.select %parallel_loop3A_871, %get3A_15, %parallel_loop3A_889 : vector<16xi1>, vector<16xf32>
      %parallel_loop3A_891 = arith.constant 32 : i32
      %parallel_loop3A_892 = arith.addi %parallel_loop3A_876, %parallel_loop3A_891 : i32
      %parallel_loop3A_893 = arith.index_cast %parallel_loop3A_892 : i32 to index
      %parallel_loop3A_894 = tpu.vector_load %arg7[%parallel_loop3A_893] {strides = array<i32>} : memref<65536xf32, #tpu.memory_space<vmem>>, vector<16xf32>,
      tpu.vector_store %arg7[%parallel_loop3A_893], %parallel_loop3A_890 {strides = array<i32>} : memref<65536xf32, #tpu.memory_space<vmem>>, vector<16xf32>,
      %parallel_loop3A_895 = arith.select %parallel_loop3A_874, %get3A_33, %get3A_49 : vector<16xi1>, vector<16xf32>
      %parallel_loop3A_896 = arith.select %parallel_loop3A_871, %get3A_17, %parallel_loop3A_895 : vector<16xi1>, vector<16xf32>
      %parallel_loop3A_897 = arith.constant 48 : i32
      %parallel_loop3A_898 = arith.addi %parallel_loop3A_876, %parallel_loop3A_897 : i32
      %parallel_loop3A_899 = arith.index_cast %parallel_loop3A_898 : i32 to index
      %parallel_loop3A_900 = tpu.vector_load %arg7[%parallel_loop3A_899] {strides = array<i32>} : memref<65536xf32, #tpu.memory_space<vmem>>, vector<16xf32>,
      tpu.vector_store %arg7[%parallel_loop3A_899], %parallel_loop3A_896 {strides = array<i32>} : memref<65536xf32, #tpu.memory_space<vmem>>, vector<16xf32>,
      %parallel_loop3A_901 = arith.select %parallel_loop3A_874, %get3A_35, %get3A_51 : vector<16xi1>, vector<16xf32>
      %parallel_loop3A_902 = arith.select %parallel_loop3A_871, %get3A_19, %parallel_loop3A_901 : vector<16xi1>, vector<16xf32>
      %parallel_loop3A_903 = arith.constant 64 : i32
      %parallel_loop3A_904 = arith.addi %parallel_loop3A_876, %parallel_loop3A_903 : i32
      %parallel_loop3A_905 = arith.index_cast %parallel_loop3A_904 : i32 to index
      %parallel_loop3A_906 = tpu.vector_load %arg7[%parallel_loop3A_905] {strides = array<i32>} : memref<65536xf32, #tpu.memory_space<vmem>>, vector<16xf32>,
      tpu.vector_store %arg7[%parallel_loop3A_905], %parallel_loop3A_902 {strides = array<i32>} : memref<65536xf32, #tpu.memory_space<vmem>>, vector<16xf32>,
      %parallel_loop3A_907 = arith.select %parallel_loop3A_874, %get3A_37, %get3A_53 : vector<16xi1>, vector<16xf32>
      %parallel_loop3A_908 = arith.select %parallel_loop3A_871, %get3A_21, %parallel_loop3A_907 : vector<16xi1>, vector<16xf32>
      %parallel_loop3A_909 = arith.constant 80 : i32
      %parallel_loop3A_910 = arith.addi %parallel_loop3A_876, %parallel_loop3A_909 : i32
      %parallel_loop3A_911 = arith.index_cast %parallel_loop3A_910 : i32 to index
      %parallel_loop3A_912 = tpu.vector_load %arg7[%parallel_loop3A_911] {strides = array<i32>} : memref<65536xf32, #tpu.memory_space<vmem>>, vector<16xf32>,
      tpu.vector_store %arg7[%parallel_loop3A_911], %parallel_loop3A_908 {strides = array<i32>} : memref<65536xf32, #tpu.memory_space<vmem>>, vector<16xf32>,
      %parallel_loop3A_913 = arith.select %parallel_loop3A_874, %get3A_39, %get3A_55 : vector<16xi1>, vector<16xf32>
      %parallel_loop3A_914 = arith.select %parallel_loop3A_871, %get3A_23, %parallel_loop3A_913 : vector<16xi1>, vector<16xf32>
      %parallel_loop3A_915 = arith.constant 96 : i32
      %parallel_loop3A_916 = arith.addi %parallel_loop3A_876, %parallel_loop3A_915 : i32
      %parallel_loop3A_917 = arith.index_cast %parallel_loop3A_916 : i32 to index
      %parallel_loop3A_918 = tpu.vector_load %arg7[%parallel_loop3A_917] {strides = array<i32>} : memref<65536xf32, #tpu.memory_space<vmem>>, vector<16xf32>,
      tpu.vector_store %arg7[%parallel_loop3A_917], %parallel_loop3A_914 {strides = array<i32>} : memref<65536xf32, #tpu.memory_space<vmem>>, vector<16xf32>,
      %parallel_loop3A_919 = arith.select %parallel_loop3A_874, %get3A_41, %get3A_57 : vector<16xi1>, vector<16xf32>
      %parallel_loop3A_920 = arith.select %parallel_loop3A_871, %get3A_25, %parallel_loop3A_919 : vector<16xi1>, vector<16xf32>
      %parallel_loop3A_921 = arith.constant 112 : i32
      %parallel_loop3A_922 = arith.addi %parallel_loop3A_876, %parallel_loop3A_921 : i32
      %parallel_loop3A_923 = arith.index_cast %parallel_loop3A_922 : i32 to index
      %parallel_loop3A_924 = tpu.vector_load %arg7[%parallel_loop3A_923] {strides = array<i32>} : memref<65536xf32, #tpu.memory_space<vmem>>, vector<16xf32>,
      tpu.vector_store %arg7[%parallel_loop3A_923], %parallel_loop3A_920 {strides = array<i32>} : memref<65536xf32, #tpu.memory_space<vmem>>, vector<16xf32>,
      %parallel_loop3A_925 = arith.constant 14 : i32
      %parallel_loop3A_926 = vector.broadcast %parallel_loop3A_925 : i32 to vector<16xi32>
      %parallel_loop3A_927 = vector.shape_cast %parallel_loop3A_926 : vector<16xi32> to vector<16x1xi32>
      %parallel_loop3A_928 = vector.shape_cast %parallel_loop3A_927 : vector<16x1xi32> to vector<16xi32>
      %parallel_loop3A_929 = tpu.dynamic_gather %parallel_loop3A_68[%parallel_loop3A_928] in [0] : vector<16xi32>, vector<16xi32> -> vector<16xi32>
      %parallel_loop3A_930 = arith.constant 0 : i32
      %parallel_loop3A_931 = vector.broadcast %parallel_loop3A_930 : i32 to vector<16xi32>
      %parallel_loop3A_932 = arith.cmpi eq, %parallel_loop3A_929, %parallel_loop3A_931 : vector<16xi32>
      %parallel_loop3A_933 = arith.constant 1 : i32
      %parallel_loop3A_934 = vector.broadcast %parallel_loop3A_933 : i32 to vector<16xi32>
      %parallel_loop3A_935 = arith.cmpi eq, %parallel_loop3A_929, %parallel_loop3A_934 : vector<16xi32>
      %parallel_loop3A_936 = arith.constant 1792 : i32
      %parallel_loop3A_937 = arith.addi %parallel_loop3A_70, %parallel_loop3A_936 : i32
      %parallel_loop3A_938 = arith.select %parallel_loop3A_935, %get3A_27, %get3A_43 : vector<16xi1>, vector<16xf32>
      %parallel_loop3A_939 = arith.select %parallel_loop3A_932, %get3A_11, %parallel_loop3A_938 : vector<16xi1>, vector<16xf32>
      %parallel_loop3A_940 = arith.constant 0 : i32
      %parallel_loop3A_941 = arith.addi %parallel_loop3A_937, %parallel_loop3A_940 : i32
      %parallel_loop3A_942 = arith.index_cast %parallel_loop3A_941 : i32 to index
      %parallel_loop3A_943 = tpu.vector_load %arg7[%parallel_loop3A_942] {strides = array<i32>} : memref<65536xf32, #tpu.memory_space<vmem>>, vector<16xf32>,
      tpu.vector_store %arg7[%parallel_loop3A_942], %parallel_loop3A_939 {strides = array<i32>} : memref<65536xf32, #tpu.memory_space<vmem>>, vector<16xf32>,
      %parallel_loop3A_944 = arith.select %parallel_loop3A_935, %get3A_29, %get3A_45 : vector<16xi1>, vector<16xf32>
      %parallel_loop3A_945 = arith.select %parallel_loop3A_932, %get3A_13, %parallel_loop3A_944 : vector<16xi1>, vector<16xf32>
      %parallel_loop3A_946 = arith.constant 16 : i32
      %parallel_loop3A_947 = arith.addi %parallel_loop3A_937, %parallel_loop3A_946 : i32
      %parallel_loop3A_948 = arith.index_cast %parallel_loop3A_947 : i32 to index
      %parallel_loop3A_949 = tpu.vector_load %arg7[%parallel_loop3A_948] {strides = array<i32>} : memref<65536xf32, #tpu.memory_space<vmem>>, vector<16xf32>,
      tpu.vector_store %arg7[%parallel_loop3A_948], %parallel_loop3A_945 {strides = array<i32>} : memref<65536xf32, #tpu.memory_space<vmem>>, vector<16xf32>,
      %parallel_loop3A_950 = arith.select %parallel_loop3A_935, %get3A_31, %get3A_47 : vector<16xi1>, vector<16xf32>
      %parallel_loop3A_951 = arith.select %parallel_loop3A_932, %get3A_15, %parallel_loop3A_950 : vector<16xi1>, vector<16xf32>
      %parallel_loop3A_952 = arith.constant 32 : i32
      %parallel_loop3A_953 = arith.addi %parallel_loop3A_937, %parallel_loop3A_952 : i32
      %parallel_loop3A_954 = arith.index_cast %parallel_loop3A_953 : i32 to index
      %parallel_loop3A_955 = tpu.vector_load %arg7[%parallel_loop3A_954] {strides = array<i32>} : memref<65536xf32, #tpu.memory_space<vmem>>, vector<16xf32>,
      tpu.vector_store %arg7[%parallel_loop3A_954], %parallel_loop3A_951 {strides = array<i32>} : memref<65536xf32, #tpu.memory_space<vmem>>, vector<16xf32>,
      %parallel_loop3A_956 = arith.select %parallel_loop3A_935, %get3A_33, %get3A_49 : vector<16xi1>, vector<16xf32>
      %parallel_loop3A_957 = arith.select %parallel_loop3A_932, %get3A_17, %parallel_loop3A_956 : vector<16xi1>, vector<16xf32>
      %parallel_loop3A_958 = arith.constant 48 : i32
      %parallel_loop3A_959 = arith.addi %parallel_loop3A_937, %parallel_loop3A_958 : i32
      %parallel_loop3A_960 = arith.index_cast %parallel_loop3A_959 : i32 to index
      %parallel_loop3A_961 = tpu.vector_load %arg7[%parallel_loop3A_960] {strides = array<i32>} : memref<65536xf32, #tpu.memory_space<vmem>>, vector<16xf32>,
      tpu.vector_store %arg7[%parallel_loop3A_960], %parallel_loop3A_957 {strides = array<i32>} : memref<65536xf32, #tpu.memory_space<vmem>>, vector<16xf32>,
      %parallel_loop3A_962 = arith.select %parallel_loop3A_935, %get3A_35, %get3A_51 : vector<16xi1>, vector<16xf32>
      %parallel_loop3A_963 = arith.select %parallel_loop3A_932, %get3A_19, %parallel_loop3A_962 : vector<16xi1>, vector<16xf32>
      %parallel_loop3A_964 = arith.constant 64 : i32
      %parallel_loop3A_965 = arith.addi %parallel_loop3A_937, %parallel_loop3A_964 : i32
      %parallel_loop3A_966 = arith.index_cast %parallel_loop3A_965 : i32 to index
      %parallel_loop3A_967 = tpu.vector_load %arg7[%parallel_loop3A_966] {strides = array<i32>} : memref<65536xf32, #tpu.memory_space<vmem>>, vector<16xf32>,
      tpu.vector_store %arg7[%parallel_loop3A_966], %parallel_loop3A_963 {strides = array<i32>} : memref<65536xf32, #tpu.memory_space<vmem>>, vector<16xf32>,
      %parallel_loop3A_968 = arith.select %parallel_loop3A_935, %get3A_37, %get3A_53 : vector<16xi1>, vector<16xf32>
      %parallel_loop3A_969 = arith.select %parallel_loop3A_932, %get3A_21, %parallel_loop3A_968 : vector<16xi1>, vector<16xf32>
      %parallel_loop3A_970 = arith.constant 80 : i32
      %parallel_loop3A_971 = arith.addi %parallel_loop3A_937, %parallel_loop3A_970 : i32
      %parallel_loop3A_972 = arith.index_cast %parallel_loop3A_971 : i32 to index
      %parallel_loop3A_973 = tpu.vector_load %arg7[%parallel_loop3A_972] {strides = array<i32>} : memref<65536xf32, #tpu.memory_space<vmem>>, vector<16xf32>,
      tpu.vector_store %arg7[%parallel_loop3A_972], %parallel_loop3A_969 {strides = array<i32>} : memref<65536xf32, #tpu.memory_space<vmem>>, vector<16xf32>,
      %parallel_loop3A_974 = arith.select %parallel_loop3A_935, %get3A_39, %get3A_55 : vector<16xi1>, vector<16xf32>
      %parallel_loop3A_975 = arith.select %parallel_loop3A_932, %get3A_23, %parallel_loop3A_974 : vector<16xi1>, vector<16xf32>
      %parallel_loop3A_976 = arith.constant 96 : i32
      %parallel_loop3A_977 = arith.addi %parallel_loop3A_937, %parallel_loop3A_976 : i32
      %parallel_loop3A_978 = arith.index_cast %parallel_loop3A_977 : i32 to index
      %parallel_loop3A_979 = tpu.vector_load %arg7[%parallel_loop3A_978] {strides = array<i32>} : memref<65536xf32, #tpu.memory_space<vmem>>, vector<16xf32>,
      tpu.vector_store %arg7[%parallel_loop3A_978], %parallel_loop3A_975 {strides = array<i32>} : memref<65536xf32, #tpu.memory_space<vmem>>, vector<16xf32>,
      %parallel_loop3A_980 = arith.select %parallel_loop3A_935, %get3A_41, %get3A_57 : vector<16xi1>, vector<16xf32>
      %parallel_loop3A_981 = arith.select %parallel_loop3A_932, %get3A_25, %parallel_loop3A_980 : vector<16xi1>, vector<16xf32>
      %parallel_loop3A_982 = arith.constant 112 : i32
      %parallel_loop3A_983 = arith.addi %parallel_loop3A_937, %parallel_loop3A_982 : i32
      %parallel_loop3A_984 = arith.index_cast %parallel_loop3A_983 : i32 to index
      %parallel_loop3A_985 = tpu.vector_load %arg7[%parallel_loop3A_984] {strides = array<i32>} : memref<65536xf32, #tpu.memory_space<vmem>>, vector<16xf32>,
      tpu.vector_store %arg7[%parallel_loop3A_984], %parallel_loop3A_981 {strides = array<i32>} : memref<65536xf32, #tpu.memory_space<vmem>>, vector<16xf32>,
      %parallel_loop3A_986 = arith.constant 15 : i32
      %parallel_loop3A_987 = vector.broadcast %parallel_loop3A_986 : i32 to vector<16xi32>
      %parallel_loop3A_988 = vector.shape_cast %parallel_loop3A_987 : vector<16xi32> to vector<16x1xi32>
      %parallel_loop3A_989 = vector.shape_cast %parallel_loop3A_988 : vector<16x1xi32> to vector<16xi32>
      %parallel_loop3A_990 = tpu.dynamic_gather %parallel_loop3A_68[%parallel_loop3A_989] in [0] : vector<16xi32>, vector<16xi32> -> vector<16xi32>
      %parallel_loop3A_991 = arith.constant 0 : i32
      %parallel_loop3A_992 = vector.broadcast %parallel_loop3A_991 : i32 to vector<16xi32>
      %parallel_loop3A_993 = arith.cmpi eq, %parallel_loop3A_990, %parallel_loop3A_992 : vector<16xi32>
      %parallel_loop3A_994 = arith.constant 1 : i32
      %parallel_loop3A_995 = vector.broadcast %parallel_loop3A_994 : i32 to vector<16xi32>
      %parallel_loop3A_996 = arith.cmpi eq, %parallel_loop3A_990, %parallel_loop3A_995 : vector<16xi32>
      %parallel_loop3A_997 = arith.constant 1920 : i32
      %parallel_loop3A_998 = arith.addi %parallel_loop3A_70, %parallel_loop3A_997 : i32
      %parallel_loop3A_999 = arith.select %parallel_loop3A_996, %get3A_27, %get3A_43 : vector<16xi1>, vector<16xf32>
      %parallel_loop3A_1000 = arith.select %parallel_loop3A_993, %get3A_11, %parallel_loop3A_999 : vector<16xi1>, vector<16xf32>
      %parallel_loop3A_1001 = arith.constant 0 : i32
      %parallel_loop3A_1002 = arith.addi %parallel_loop3A_998, %parallel_loop3A_1001 : i32
      %parallel_loop3A_1003 = arith.index_cast %parallel_loop3A_1002 : i32 to index
      %parallel_loop3A_1004 = tpu.vector_load %arg7[%parallel_loop3A_1003] {strides = array<i32>} : memref<65536xf32, #tpu.memory_space<vmem>>, vector<16xf32>,
      tpu.vector_store %arg7[%parallel_loop3A_1003], %parallel_loop3A_1000 {strides = array<i32>} : memref<65536xf32, #tpu.memory_space<vmem>>, vector<16xf32>,
      %parallel_loop3A_1005 = arith.select %parallel_loop3A_996, %get3A_29, %get3A_45 : vector<16xi1>, vector<16xf32>
      %parallel_loop3A_1006 = arith.select %parallel_loop3A_993, %get3A_13, %parallel_loop3A_1005 : vector<16xi1>, vector<16xf32>
      %parallel_loop3A_1007 = arith.constant 16 : i32
      %parallel_loop3A_1008 = arith.addi %parallel_loop3A_998, %parallel_loop3A_1007 : i32
      %parallel_loop3A_1009 = arith.index_cast %parallel_loop3A_1008 : i32 to index
      %parallel_loop3A_1010 = tpu.vector_load %arg7[%parallel_loop3A_1009] {strides = array<i32>} : memref<65536xf32, #tpu.memory_space<vmem>>, vector<16xf32>,
      tpu.vector_store %arg7[%parallel_loop3A_1009], %parallel_loop3A_1006 {strides = array<i32>} : memref<65536xf32, #tpu.memory_space<vmem>>, vector<16xf32>,
      %parallel_loop3A_1011 = arith.select %parallel_loop3A_996, %get3A_31, %get3A_47 : vector<16xi1>, vector<16xf32>
      %parallel_loop3A_1012 = arith.select %parallel_loop3A_993, %get3A_15, %parallel_loop3A_1011 : vector<16xi1>, vector<16xf32>
      %parallel_loop3A_1013 = arith.constant 32 : i32
      %parallel_loop3A_1014 = arith.addi %parallel_loop3A_998, %parallel_loop3A_1013 : i32
      %parallel_loop3A_1015 = arith.index_cast %parallel_loop3A_1014 : i32 to index
      %parallel_loop3A_1016 = tpu.vector_load %arg7[%parallel_loop3A_1015] {strides = array<i32>} : memref<65536xf32, #tpu.memory_space<vmem>>, vector<16xf32>,
      tpu.vector_store %arg7[%parallel_loop3A_1015], %parallel_loop3A_1012 {strides = array<i32>} : memref<65536xf32, #tpu.memory_space<vmem>>, vector<16xf32>,
      %parallel_loop3A_1017 = arith.select %parallel_loop3A_996, %get3A_33, %get3A_49 : vector<16xi1>, vector<16xf32>
      %parallel_loop3A_1018 = arith.select %parallel_loop3A_993, %get3A_17, %parallel_loop3A_1017 : vector<16xi1>, vector<16xf32>
      %parallel_loop3A_1019 = arith.constant 48 : i32
      %parallel_loop3A_1020 = arith.addi %parallel_loop3A_998, %parallel_loop3A_1019 : i32
      %parallel_loop3A_1021 = arith.index_cast %parallel_loop3A_1020 : i32 to index
      %parallel_loop3A_1022 = tpu.vector_load %arg7[%parallel_loop3A_1021] {strides = array<i32>} : memref<65536xf32, #tpu.memory_space<vmem>>, vector<16xf32>,
      tpu.vector_store %arg7[%parallel_loop3A_1021], %parallel_loop3A_1018 {strides = array<i32>} : memref<65536xf32, #tpu.memory_space<vmem>>, vector<16xf32>,
      %parallel_loop3A_1023 = arith.select %parallel_loop3A_996, %get3A_35, %get3A_51 : vector<16xi1>, vector<16xf32>
      %parallel_loop3A_1024 = arith.select %parallel_loop3A_993, %get3A_19, %parallel_loop3A_1023 : vector<16xi1>, vector<16xf32>
      %parallel_loop3A_1025 = arith.constant 64 : i32
      %parallel_loop3A_1026 = arith.addi %parallel_loop3A_998, %parallel_loop3A_1025 : i32
      %parallel_loop3A_1027 = arith.index_cast %parallel_loop3A_1026 : i32 to index
      %parallel_loop3A_1028 = tpu.vector_load %arg7[%parallel_loop3A_1027] {strides = array<i32>} : memref<65536xf32, #tpu.memory_space<vmem>>, vector<16xf32>,
      tpu.vector_store %arg7[%parallel_loop3A_1027], %parallel_loop3A_1024 {strides = array<i32>} : memref<65536xf32, #tpu.memory_space<vmem>>, vector<16xf32>,
      %parallel_loop3A_1029 = arith.select %parallel_loop3A_996, %get3A_37, %get3A_53 : vector<16xi1>, vector<16xf32>
      %parallel_loop3A_1030 = arith.select %parallel_loop3A_993, %get3A_21, %parallel_loop3A_1029 : vector<16xi1>, vector<16xf32>
      %parallel_loop3A_1031 = arith.constant 80 : i32
      %parallel_loop3A_1032 = arith.addi %parallel_loop3A_998, %parallel_loop3A_1031 : i32
      %parallel_loop3A_1033 = arith.index_cast %parallel_loop3A_1032 : i32 to index
      %parallel_loop3A_1034 = tpu.vector_load %arg7[%parallel_loop3A_1033] {strides = array<i32>} : memref<65536xf32, #tpu.memory_space<vmem>>, vector<16xf32>,
      tpu.vector_store %arg7[%parallel_loop3A_1033], %parallel_loop3A_1030 {strides = array<i32>} : memref<65536xf32, #tpu.memory_space<vmem>>, vector<16xf32>,
      %parallel_loop3A_1035 = arith.select %parallel_loop3A_996, %get3A_39, %get3A_55 : vector<16xi1>, vector<16xf32>
      %parallel_loop3A_1036 = arith.select %parallel_loop3A_993, %get3A_23, %parallel_loop3A_1035 : vector<16xi1>, vector<16xf32>
      %parallel_loop3A_1037 = arith.constant 96 : i32
      %parallel_loop3A_1038 = arith.addi %parallel_loop3A_998, %parallel_loop3A_1037 : i32
      %parallel_loop3A_1039 = arith.index_cast %parallel_loop3A_1038 : i32 to index
      %parallel_loop3A_1040 = tpu.vector_load %arg7[%parallel_loop3A_1039] {strides = array<i32>} : memref<65536xf32, #tpu.memory_space<vmem>>, vector<16xf32>,
      tpu.vector_store %arg7[%parallel_loop3A_1039], %parallel_loop3A_1036 {strides = array<i32>} : memref<65536xf32, #tpu.memory_space<vmem>>, vector<16xf32>,
      %parallel_loop3A_1041 = arith.select %parallel_loop3A_996, %get3A_41, %get3A_57 : vector<16xi1>, vector<16xf32>
      %parallel_loop3A_1042 = arith.select %parallel_loop3A_993, %get3A_25, %parallel_loop3A_1041 : vector<16xi1>, vector<16xf32>
      %parallel_loop3A_1043 = arith.constant 112 : i32
      %parallel_loop3A_1044 = arith.addi %parallel_loop3A_998, %parallel_loop3A_1043 : i32
      %parallel_loop3A_1045 = arith.index_cast %parallel_loop3A_1044 : i32 to index
      %parallel_loop3A_1046 = tpu.vector_load %arg7[%parallel_loop3A_1045] {strides = array<i32>} : memref<65536xf32, #tpu.memory_space<vmem>>, vector<16xf32>,
      tpu.vector_store %arg7[%parallel_loop3A_1045], %parallel_loop3A_1042 {strides = array<i32>} : memref<65536xf32, #tpu.memory_space<vmem>>, vector<16xf32>,
      %parallel_loop3A_1047 = arith.addi %mul3A_59, %parallel_loop3A_70 : i32
      %parallel_loop3A_1048 = tpu.memref_slice %arg7[%parallel_loop3A_70] : memref<65536xf32, #tpu.memory_space<vmem>> -> memref<2048xf32, #tpu.memory_space<vmem>>
      %parallel_loop3A_1049 = tpu.memref_slice %arg4[%parallel_loop3A_1047] : memref<2097152xf32, #tpu.memory_space<hbm>> -> memref<2048xf32, #tpu.memory_space<hbm>>
      %parallel_loop3A_1050 = tpu.memref_slice %arg4[%parallel_loop3A_1047] : memref<2097152xf32, #tpu.memory_space<hbm>> -> memref<2048xf32, #tpu.memory_space<hbm>>
      %parallel_loop3A_1051 = tpu.memref_slice %arg7[%parallel_loop3A_70] : memref<65536xf32, #tpu.memory_space<vmem>> -> memref<2048xf32, #tpu.memory_space<vmem>>
      tpu.enqueue_dma source(%parallel_loop3A_1051 : memref<2048xf32, #tpu.memory_space<vmem>>) target(%parallel_loop3A_1050 : memref<2048xf32, #tpu.memory_space<hbm>>) target_semaphore(%arg9 : memref<!tpu.dma_semaphore, #tpu.memory_space<semaphore_mem>>)
    } {sc.loop_unroll_factor = 1 : i64, sc.parallel_access}
    %dma_wait3A_62 = tpu.memref_slice %arg4[%mul3A_59] : memref<2097152xf32, #tpu.memory_space<hbm>> -> memref<65536xf32, #tpu.memory_space<hbm>>
    %dma_wait3A_63 = tpu.memref_slice %arg4[%mul3A_59] : memref<2097152xf32, #tpu.memory_space<hbm>> -> memref<65536xf32, #tpu.memory_space<hbm>>
    tpu.wait_dma2 semaphore(%arg9 : memref<!tpu.dma_semaphore, #tpu.memory_space<semaphore_mem>>) src(%dma_wait3A_63 : memref<65536xf32, #tpu.memory_space<hbm>>) dst(%arg7 : memref<65536xf32, #tpu.memory_space<vmem>>)
    return
  }
}

</mosaic_0001>

<sc_bundles>
// kernel: kernel.3.cloned.1.call-start
scs
__scs_entry_jumppad:
0x0: {  	(pc) =	sbr.rel $0x88, $3  }
0x1: {  	(tag) =	ssettag $0x0;
	lr =	simm.s32 $0x1  }
0x2: {  	[smem:$0x3F9F] =	sst lr;
	_ =	strace $0xD0000000  }
0x3: {  	_ = 	snop  }
0x4: {  	_ = 	snop  }
0x5: {  	_ = 	snop  }
0x6: {  	_ = 	snop  }
0x7: {  	_ = 	snop  }
__scs_overlays_trampoline_lowered:
0x8: {  	[smem:$0x3FAE] =	sst s0  }
0x9: {  	[smem:$0x3FAF] =	sst s1  }
0xa: {  	[smem:$0x3FB0] =	sst s2  }
0xb: {  	[smem:$0x3FB1] =	sst s3  }
0xc: {  	[smem:$0x3FB2] =	sst s4  }
0xd: {  	[smem:$0x3FB3] =	sst s5  }
0xe: {  	[smem:$0x3FB4] =	sst s6  }
0xf: {  	[smem:$0x3FB5] =	sst s7  }
0x10: {  	[smem:$0x3FB6] =	sst s8  }
0x11: {  	[smem:$0x3FB7] =	sst s9;
	s0 =	simm.s32 @!p0 $0x0  }
0x12: {  	s1 =	sld [smem:$0x3F9D];
	s0 =	simm.s32 @p0 $0x1  }
0x13: {  	[smem:$0x3FB8] =	sst s0;
	s0 =	simm.s32 @!p1 $0x0  }
0x14: {  	s2 =	sld [smem:$0x3F9C];
	s0 =	simm.s32 @p1 $0x1  }
0x15: {  	[smem:$0x3FB9] =	sst s0;
	s0 =	simm.s32 @!p2 $0x0  }
0x16: {  	s3 =	sld [smem:$0x3FDB];
	s0 =	simm.s32 @p2 $0x1  }
0x17: {  	s4 =	simm.s32 $0x1BF5;
	[smem:$0x3FBB] =	sst s0  }
0x18: {  	s0 =	sld [smem:$0x3F9E];
	_ =	swait.ge [sflag:s4], $0x0  }
0x19: {  	s7 =	sld [smem:$0x3F9F]  }
0x1a: {  	s8 =	sadd.s32 $0xFFFFE003, lr  }
0x1b: {  	s9 =	sadd.s32 $0xFFFFFEF7, lr;
	s5 =	simm.s32 $0xFFFFFFFF;
	p2 =	slt.u32 s8, $0xFFFFF086  }
0x1c: {  	p1 =	slt.u32 s9, $0xF7A;
	s5 =	simm.s32 @!p2 $0x0  }
0x1d: {  	s5 =	simm.s32 @p1 $0x1;
	p0 =	seq.s32 s7, s2  }
0x1e: {  	s7 =	smul.u32 @!p0 $0xF7A, s2;
	p2 =	seq.s32 @!p0 s5, $0x0  }
0x1f: {  	s9 =	smul.u32 $0xF7A, s1;
	s8 =	simm.s32 @!p0 $0x1BF5;
	p2 =	por !p2, p0  }
0x20: {  	[sflag:s8] =	ssyncset.s32 @!p0 $0xFFFFF086;
	s6 =	sadd.s32 @!p0 s3, s7;
	s7 =	simm.s32 @!p0 $0x108  }
0x21: {  	s3 =	sadd.s32 s3, s9;
	s6 =	sadd.s32 @!p0 $0x88, s6;
	s7 =	simm.s32 @p2 $0x1082  }
0x22: {  	[simem:s7], [sflag:s8] =	dma.local @!p0 [hbm:s6], $0xF7A  }
0x23: {  	s9 =	sor.u32 $0xD0000000, s2;
	s6 =	simm.s32 $0x108;
	_ =	swait.ge @!p0 [sflag:s8], $0x0  }
0x24: {  	s3 =	sadd.s32 $0x88, s3;
	s6 =	simm.s32 @!p1 $0x1082;
	[sflag:s4] =	ssyncset.s32 $0xFFFFF086  }
0x25: {  	[simem:s6], [sflag:s4] =	dma.local [hbm:s3], $0xF7A  }
0x26: {  	[smem:$0x3F9F] =	sst s1;
	(tag) =	ssettag s2;
	_ =	strace s9  }
0x27: {  	s1 =	sld [smem:$0x3FAF]  }
0x28: {  	s2 =	sld [smem:$0x3FB0]  }
0x29: {  	s4 =	sld [smem:$0x3FB2]  }
0x2a: {  	p0 =	seq.s32 s5, $0x0;
	s5 =	sld [smem:$0x3FB3]  }
0x2b: {  	s6 =	sld [smem:$0x3FB4]  }
0x2c: {  	s7 =	sld [smem:$0x3FB5]  }
0x2d: {  	s3 =	simm.s32 $0x108;
	s8 =	sld [smem:$0x3FB6]  }
0x2e: {  	s3 =	simm.s32 @!p0 $0x1082;
	s9 =	sld [smem:$0x3FB7]  }
0x2f: {  	lr =	sadd.s32 s0, s3;
	s0 =	sld [smem:$0x3FAE]  }
0x30: {  	s3 =	sld [smem:$0x3FB1]  }
0x31: {  	[smem:$0x3FBA] =	sst s10  }
0x32: {  	s10 =	sld [smem:$0x3FB8];
	_ =	sdelay $0x3  }
0x33: {  	p0 =	seq.s32 s10, $0x1;
	s10 =	sld [smem:$0x3FBA];
	_ =	sdelay $0x3  }
0x34: {  	[smem:$0x3FBA] =	sst s10  }
0x35: {  	s10 =	sld [smem:$0x3FB9];
	_ =	sdelay $0x3  }
0x36: {  	p1 =	seq.s32 s10, $0x1;
	s10 =	sld [smem:$0x3FBA];
	_ =	sdelay $0x3  }
0x37: {  	[smem:$0x3FBA] =	sst s10  }
0x38: {  	s10 =	sld [smem:$0x3FBB]  }
0x39: {  	_ = 	snop;
	(pc) =	sbr.ind lr, $3  }
0x3a: {  	_ = 	snop  }
0x3b: {  	_ = 	snop  }
0x3c: {  	p2 =	seq.s32 s10, $0x1;
	s10 =	sld [smem:$0x3FBA]  }
0x3d: {  	_ =	shalt  }
0x3e: {  	_ =	shalt  }
0x3f: {  	_ =	shalt  }
0x40: {  	_ =	shalt  }
0x41: {  	_ =	shalt  }
0x42: {  	_ =	shalt  }
0x43: {  	_ =	shalt  }
0x44: {  	_ =	shalt  }
0x45: {  	_ =	shalt  }
0x46: {  	_ =	shalt  }
0x47: {  	_ =	shalt  }
0x48: {  	_ =	shalt  }
0x49: {  	_ =	shalt  }
0x4a: {  	_ =	shalt  }
0x4b: {  	_ =	shalt  }
0x4c: {  	_ =	shalt  }
0x4d: {  	_ =	shalt  }
0x4e: {  	_ =	shalt  }
0x4f: {  	_ =	shalt  }
0x50: {  	_ =	shalt  }
0x51: {  	_ =	shalt  }
0x52: {  	_ =	shalt  }
0x53: {  	_ =	shalt  }
0x54: {  	_ =	shalt  }
0x55: {  	_ =	shalt  }
0x56: {  	_ =	shalt  }
0x57: {  	_ =	shalt  }
0x58: {  	_ =	shalt  }
0x59: {  	_ =	shalt  }
0x5a: {  	_ =	shalt  }
0x5b: {  	_ =	shalt  }
0x5c: {  	_ =	shalt  }
0x5d: {  	_ =	shalt  }
0x5e: {  	_ =	shalt  }
0x5f: {  	_ =	shalt  }
0x60: {  	_ =	shalt  }
0x61: {  	_ =	shalt  }
0x62: {  	_ =	shalt  }
0x63: {  	_ =	shalt  }
0x64: {  	_ =	shalt  }
0x65: {  	_ =	shalt  }
0x66: {  	_ =	shalt  }
0x67: {  	_ =	shalt  }
0x68: {  	_ =	shalt  }
0x69: {  	_ =	shalt  }
0x6a: {  	_ =	shalt  }
0x6b: {  	_ =	shalt  }
0x6c: {  	_ =	shalt  }
0x6d: {  	_ =	shalt  }
0x6e: {  	_ =	shalt  }
0x6f: {  	_ =	shalt  }
0x70: {  	_ =	shalt  }
0x71: {  	_ =	shalt  }
0x72: {  	_ =	shalt  }
0x73: {  	_ =	shalt  }
0x74: {  	_ =	shalt  }
0x75: {  	_ =	shalt  }
0x76: {  	_ =	shalt  }
0x77: {  	_ =	shalt  }
0x78: {  	_ =	shalt  }
0x79: {  	_ =	shalt  }
0x7a: {  	_ =	shalt  }
0x7b: {  	_ =	shalt  }
0x7c: {  	_ =	shalt  }
0x7d: {  	_ =	shalt  }
0x7e: {  	_ =	shalt  }
0x7f: {  	_ =	shalt  }
0x80: {  	_ =	shalt  }
0x81: {  	_ =	shalt  }
0x82: {  	_ =	shalt  }
0x83: {  	_ =	shalt  }
0x84: {  	_ =	shalt  }
0x85: {  	_ =	shalt  }
0x86: {  	_ =	shalt  }
0x87: {  	_ =	shalt  }
.Lfunc_end0:
.L_simem_size_0:
called_computation_lowered:
.L_overlay_start_0:
0x88: {  	s2 =	sld [smem:$0x3FD9]  }
0x89: {  	s3 =	sld [smem:$0x3FFE];
	_ =	sdelay $0x1  }
0x8a: {  	s1 =	srdreg.scid  }
0x8b: {  	s0 =	sand.u32 $0x1, s1  }
0x8c: {  	s17 =	sshll.u32 s0, $0xA;
	s2 =	sadd.s32 s3, s2  }
0x8d: {  	s2 =	sadd.s32 s2, s17  }
0x8e: {  	[smem:$0x3FC6] =	sst s2  }
0x8f: {  	_ = 	snop  }
0x90: {  	s2 =	sld [smem:$0x3FC8]  }
0x91: {  	s18 =	sld [smem:$0x3FD0];
	(tm) =	ssettm $0x1  }
0x92: {  	s4 =	sld [smem:$0x3FFB];
	_ =	sdelay $0x3  }
0x93: {  	_ =	strace s4  }
0x94: {  	s4 =	sld [smem:$0x3FFC];
	_ =	sdelay $0x3  }
0x95: {  	_ =	strace s4  }
0x96: {  	s4 =	sld [smem:$0x3FFD];
	_ =	sdelay $0x3  }
0x97: {  	_ =	strace s4  }
0x98: {  	_ =	strace $0x8FFFFFFF  }
0x99: {  	s19 =	sld [smem:$0x3FDB];
	_ =	sdelay $0x1  }
0x9a: {  	s5 =	simm.s32 $_scs_section_size  }
0x9b: {  	s6 =	simm.s32 $_size__tile_overlayer_lowered;
	s7 =	simm.s32 $_tile_overlayer_lowered  }
0x9c: {  	s22 =	simm.s32 $0x1BFF;
	s21 =	sshll.u32 s7, $0x1;
	s4 =	sadd.s32 s5, s19  }
0x9d: {  	s8 =	simm.s32 $0x0;
	s20 =	sshll.u32 s6, $0x1;
	s6 =	sadd.s32 s21, s4  }
0x9e: {  	[timem:s8], [sflag:s22] =	dma.local [hbm:s6], s20  }
0x9f: {  	_ =	swait.ge [sflag:s22], s20  }
0xa0: {  	s5 =	ssub.s32 $0x0, s20;
	[sflag:s22] =	ssyncset.done $0x0  }
0xa1: {  	[sflag:s22] =	ssyncadd.s32 s5;
	_ =	sdelay $0x1  }
0xa2: {  	s23 =	simm.s32 $0x1B8B  }
0xa3: {  	_ =	swait.ge [sflag:s23], $0x1  }
0xa4: {  	[sflag:s23] =	ssyncset.done $0x0  }
0xa5: {  	s25 =	simm.s32 $0x1B8E;
	s24 =	sld [smem:$0x3FFE];
	[sflag:s23] =	ssyncadd.s32 $0xFFFFFFFF  }
0xa6: {  	s26 =	simm.s32 $execute0_lowered;
	[smem:$0x3FD2] =	sst s25  }
0xa7: {  	s6 =	sshll.u32 s26, $0x1;
	_ =	strace $0x80000046;
	[dreg:$0x1] =	wrdreg $0xFFFFFFFF  }
0xa8: {  	s28 =	simm.s32 $_size_execute0_lowered;
	s4 =	sadd.s32 s4, s6;
	[dreg:$0x0] =	wrdreg $0x0  }
0xa9: {  	s6 =	sshll.u32 s28, $0x1;
	[dreg:$0x2] =	wrdreg s4  }
0xaa: {  	[dreg:$0x3] =	wrdreg s6  }
0xab: {  	[dreg:$0x4] =	wrdreg $0xC0  }
0xac: {  	_ =	task [dreg:s8], $0x5FFFF  }
0xad: {  	[dreg:$0x1] =	wrdreg $0xFFFFFFFF  }
0xae: {  	[dreg:$0x0] =	wrdreg $0x60  }
0xaf: {  	[dreg:$0x2] =	wrdreg s24  }
0xb0: {  	[dreg:$0x3] =	wrdreg s2  }
0xb1: {  	[dreg:$0x4] =	wrdreg s18  }
0xb2: {  	[dreg:$0x5] =	wrdreg $0x9  }
0xb3: {  	_ =	task.clear_ibuf [dreg:s8], $0x6FFFF;
	_ =	strace $0x90000046  }
0xb4: {  	s29 =	simm.s32 $0x9;
	_ =	strace $0x80000048  }
0xb5: {  	_ =	swait.ge [sflag:s29], $0x1  }
0xb6: {  	[sflag:s29] =	ssyncadd.s32 $0xFFFFFFFF  }
0xb7: {  	_ =	strace $0x90000048  }
0xb8: {  	_ =	sfence  }
0xb9: {  	s30 =	sld [smem:$0x0];
	_ =	sdelay $0x2  }
0xba: {  	s31 =	sshll.u32 s1, $0xD;
	s1 =	sshrl.u32 s1, $0x2  }
0xbb: {  	s3 =	sand.u32 $0x4000, s31;
	s1 =	sadd.s32 s1, s30  }
0xbc: {  	s0 =	sor.u32 s3, s0;
	s1 =	sshll.u32 s1, $0x11  }
0xbd: {  	s0 =	sor.u32 s1, s0  }
0xbe: {  	s0 =	sadd.s32 $0x8F2B, s0  }
0xbf: {  	[sflag:s0] =	ssyncadd.remote.s32 $0x1  }
0xc0: {  	_ =	sfence.sel $0xFFFF  }
0xc1: {  	[dreg:$0x0] =	wrdreg $0xFFFFFFFF;
	(pc) =	sbr.abs _section_cstart, $3  }
0xc2: {  	[dreg:$0x1] =	wrdreg $0xFFFFFFFF  }
0xc3: {  	_ =	task.clear_ibuf [dreg:s8], $0x2FFFF;
	_ =	strace $0x9FFFFFFF  }
0xc4: {  	(tm) =	ssettm $0x7FFFFFFF  }
0xc5: {  	_ =	shalt  }
tec
execute0_lowered:
.L_overlay_start_1:
0x0: {  	(tag) =	ssettag $0x1  }
0x1: {  	s4 =	rddreg [dreg:$0x0]  }
0x2: {  	s1 =	rddreg [dreg:$0x1]  }
0x3: {  	s6 =	rddreg [dreg:$0x2]  }
0x4: {  	s3 =	srdreg.scid;
	s0 =	rddreg [dreg:$0x3];
	s2 =	simm.s32 $0x0  }
0x5: {  	s12 =	simm.s32 $0x0;
	s5 =	sand.u32 $0x1, s3;
	[smem:$0x7FF] =	sst s2  }
0x6: {  	s3 =	stileid.u32;
	s7 =	ssub.s32 $0x2, s5;
	_ =	strace $0x80000047  }
0x7: {  	s30 =	sshll.u32 s3, $0x7;
	s9 =	sshll.u32 s3, $0x5;
	s10 =	sshll.u32 s5, $0x4  }
0x8: {  	v0 =	vimm.s32 $0x0;
	s11 =	sshll.u32 s3, $0x11;
	s5 =	sshll.u32 s5, $0x10;
	s8 =	sshrl.u32 s7, $0x1  }
0x9: {  	v1 =	vimm.s32 $0x1;
	v2 =	vimm.s32 $0x2;
	v3 =	vimm.s32 $0x3;
	s9 =	sor.u32 s10, s9;
	s5 =	sor.u32 s5, s11;
	s10 =	simm.s32 $0x1  }
0xa: {  	v4 =	vimm.s32 $0x4;
	v5 =	vimm.s32 $0x5;
	v6 =	vimm.s32 $0x6;
	s11 =	simm.s32 $0x2;
	s7 =	ssub.s32 s7, s8;
	s8 =	sand.u32 $0x600, s30  }
0xb: {  	v7 =	vimm.s32 $0x7;
	v8 =	vimm.s32 $0x8;
	v9 =	vimm.s32 $0x9;
	s9 =	sand.u32 $0x70, s9;
	s31 =	sshrl.u32 s5, $0x3;
	s4 =	sadd.s32 s4, s8  }
0xc: {  	v10 =	vimm.s32 $0xA;
	v11 =	vimm.s32 $0xB;
	v12 =	vimm.s32 $0xC;
	s5 =	smax.u32 s7, $0x1;
	s6 =	sadd.s32 s31, s6;
	s7 =	simm.s32 $0x80  }
0xd: {  	v13 =	vimm.s32 $0xD;
	v14 =	vimm.s32 $0xE;
	v15 =	vimm.s32 $0xF;
	s8 =	simm.s32 $0x400;
	s4 =	sadd.s32 s9, s4;
	s9 =	simm.s32 $0x200  }
.LBB2_1:
0xe: {  	[tilespmem:s2], [sflag:$0x1] =	stream.strided.gather [hbm4b:s4+s7], $0x200, s8, s7, $0x38;
	[tilespmem:$0x10380] =	vst v63  }
0xf: {  	_ = 	snop  }
0x10: {  	[tilespmem:s9], [sflag:$0x1] =	stream.linear.gather [hbm4b:s1+s2], $0x180, $0x38;
	[tilespmem:$0x10380] =	vst v63  }
0x11: {  	_ =	swait.ge [sflag:s10], $0x200  }
0x12: {  	[sflag:s10] =	ssyncset.done $0x0  }
0x13: {  	[sflag:s10] =	ssyncadd.s32 $0xFFFFFE00  }
0x14: {  	_ =	swait.ge [sflag:s10], $0x180  }
0x15: {  	[sflag:s10] =	ssyncset.done $0x0  }
0x16: {  	[sflag:s10] =	ssyncadd.s32 $0xFFFFFE80  }
0x17: {  	v25 =	vld [tilespmem:$0x200]  }
0x18: {  	v22 =	vld [tilespmem:$0x210]  }
0x19: {  	v21 =	vld [tilespmem:$0x220]  }
0x1a: {  	v20 =	vld [tilespmem:$0x230]  }
0x1b: {  	v19 =	vld [tilespmem:$0x240]  }
0x1c: {  	v18 =	vld [tilespmem:$0x250]  }
0x1d: {  	v17 =	vld [tilespmem:$0x260]  }
0x1e: {  	v16 =	vld [tilespmem:$0x270]  }
0x1f: {  	v31 =	vld [tilespmem:$0x280]  }
0x20: {  	v30 =	vld [tilespmem:$0x290]  }
0x21: {  	v29 =	vld [tilespmem:$0x2A0]  }
0x22: {  	v28 =	vld [tilespmem:$0x2B0]  }
0x23: {  	v27 =	vld [tilespmem:$0x2C0]  }
0x24: {  	s13 =	simm.s32 $0x0;
	v26 =	vld [tilespmem:$0x2D0]  }
0x25: {  	v40 =	vld [tilespmem:s13+$0x0]  }
0x26: {  	v23 =	vld [tilespmem:$0x2E0]  }
0x27: {  	v24 =	vld [tilespmem:$0x2F0]  }
0x28: {  	v39 =	vld [tilespmem:$0x300]  }
0x29: {  	v38 =	vld [tilespmem:$0x310]  }
0x2a: {  	v37 =	vld [tilespmem:$0x320];
	v34 =	vperm.xlane v40, v0  }
0x2b: {  	v36 =	vld [tilespmem:$0x330]  }
0x2c: {  	v35 =	vld [tilespmem:$0x340];
	vm0 =	veq.s32 v34, $0x1  }
0x2d: {  	v33 =	vld [tilespmem:$0x350];
	vm1 =	veq.s32 v34, $0x0;
	v41 =	vsel vm0, v31, v39  }
0x2e: {  	s14 =	simm.s32 $0x380;
	v32 =	vld [tilespmem:$0x360];
	v42 =	vsel vm0, v30, v38;
	v41 =	vsel vm1, v25, v41  }
0x2f: {  	v34 =	vld [tilespmem:$0x370];
	v63 =	vsel vm0, v29, v37;
	v62 =	vsel vm1, v22, v42;
	[tilespmem:s14+$0x0] =	vst v41  }
0x30: {  	v46 =	vsel vm0, v28, v36;
	v45 =	vsel vm1, v21, v63;
	[tilespmem:s14+$0x10] =	vst v62  }
0x31: {  	v48 =	vsel vm0, v27, v35;
	v47 =	vsel vm1, v20, v46;
	[tilespmem:s14+$0x20] =	vst v45  }
0x32: {  	v43 =	vperm.xlane v40, v1;
	v50 =	vsel vm0, v26, v33;
	v49 =	vsel vm1, v19, v48;
	[tilespmem:s14+$0x30] =	vst v47  }
0x33: {  	v52 =	vsel vm0, v23, v32;
	v51 =	vsel vm1, v18, v50;
	[tilespmem:s14+$0x40] =	vst v49  }
0x34: {  	v53 =	vsel vm1, v17, v52;
	[tilespmem:s14+$0x50] =	vst v51;
	v54 =	vsel vm0, v24, v34;
	vm0 =	veq.s32 v43, $0x1  }
0x35: {  	[tilespmem:s14+$0x60] =	vst v53;
	v55 =	vsel vm1, v16, v54;
	vm1 =	veq.s32 v43, $0x0;
	v56 =	vsel vm0, v31, v39  }
0x36: {  	v58 =	vsel vm0, v30, v38;
	[tilespmem:s14+$0x70] =	vst v55;
	v57 =	vsel vm1, v25, v56  }
0x37: {  	v60 =	vsel vm0, v29, v37;
	v59 =	vsel vm1, v22, v58;
	[tilespmem:s14+$0x80] =	vst v57  }
0x38: {  	v62 =	vsel vm0, v28, v36;
	v61 =	vsel vm1, v21, v60;
	[tilespmem:s14+$0x90] =	vst v59  }
0x39: {  	v45 =	vsel vm0, v27, v35;
	v63 =	vsel vm1, v20, v62;
	[tilespmem:s14+$0xA0] =	vst v61  }
0x3a: {  	v48 =	vperm.xlane v40, v2;
	v47 =	vsel vm0, v26, v33;
	v46 =	vsel vm1, v19, v45;
	[tilespmem:s14+$0xB0] =	vst v63  }
0x3b: {  	v50 =	vsel vm0, v23, v32;
	v49 =	vsel vm1, v18, v47;
	[tilespmem:s14+$0xC0] =	vst v46  }
0x3c: {  	v52 =	vsel vm0, v24, v34;
	vm0 =	veq.s32 v48, $0x1;
	v51 =	vsel vm1, v17, v50;
	[tilespmem:s14+$0xD0] =	vst v49  }
0x3d: {  	v53 =	vsel vm1, v16, v52;
	vm1 =	veq.s32 v48, $0x0;
	v54 =	vsel vm0, v31, v39;
	[tilespmem:s14+$0xE0] =	vst v51  }
0x3e: {  	v56 =	vsel vm0, v30, v38;
	[tilespmem:s14+$0xF0] =	vst v53;
	v55 =	vsel vm1, v25, v54  }
0x3f: {  	v58 =	vsel vm0, v29, v37;
	v57 =	vsel vm1, v22, v56;
	[tilespmem:s14+$0x100] =	vst v55  }
0x40: {  	v60 =	vsel vm0, v28, v36;
	v59 =	vsel vm1, v21, v58;
	[tilespmem:s14+$0x110] =	vst v57  }
0x41: {  	v62 =	vsel vm0, v27, v35;
	v61 =	vsel vm1, v20, v60;
	[tilespmem:s14+$0x120] =	vst v59  }
0x42: {  	v45 =	vsel vm0, v26, v33;
	v63 =	vsel vm1, v19, v62;
	v46 =	vperm.xlane v40, v3;
	[tilespmem:s14+$0x130] =	vst v61  }
0x43: {  	v48 =	vsel vm0, v23, v32;
	v47 =	vsel vm1, v18, v45;
	[tilespmem:s14+$0x140] =	vst v63  }
0x44: {  	v50 =	vsel vm0, v24, v34;
	v49 =	vsel vm1, v17, v48;
	[tilespmem:s14+$0x150] =	vst v47;
	vm0 =	veq.s32 v46, $0x1  }
0x45: {  	v51 =	vsel vm1, v16, v50;
	[tilespmem:s14+$0x160] =	vst v49;
	vm1 =	veq.s32 v46, $0x0;
	v52 =	vsel vm0, v31, v39  }
0x46: {  	[tilespmem:s14+$0x170] =	vst v51;
	v54 =	vsel vm0, v30, v38;
	v53 =	vsel vm1, v25, v52  }
0x47: {  	v56 =	vsel vm0, v29, v37;
	v55 =	vsel vm1, v22, v54;
	[tilespmem:s14+$0x180] =	vst v53  }
0x48: {  	v58 =	vsel vm0, v28, v36;
	v57 =	vsel vm1, v21, v56;
	[tilespmem:s14+$0x190] =	vst v55  }
0x49: {  	v60 =	vsel vm0, v27, v35;
	v59 =	vsel vm1, v20, v58;
	[tilespmem:s14+$0x1A0] =	vst v57  }
0x4a: {  	v63 =	vperm.xlane v40, v4;
	v62 =	vsel vm0, v26, v33;
	v61 =	vsel vm1, v19, v60;
	[tilespmem:s14+$0x1B0] =	vst v59  }
0x4b: {  	v46 =	vsel vm0, v23, v32;
	v45 =	vsel vm1, v18, v62;
	[tilespmem:s14+$0x1C0] =	vst v61  }
0x4c: {  	v48 =	vsel vm0, v24, v34;
	vm0 =	veq.s32 v63, $0x1;
	v47 =	vsel vm1, v17, v46;
	[tilespmem:s14+$0x1D0] =	vst v45  }
0x4d: {  	v49 =	vsel vm1, v16, v48;
	vm1 =	veq.s32 v63, $0x0;
	v50 =	vsel vm0, v31, v39;
	[tilespmem:s14+$0x1E0] =	vst v47  }
0x4e: {  	v52 =	vsel vm0, v30, v38;
	[tilespmem:s14+$0x1F0] =	vst v49;
	v51 =	vsel vm1, v25, v50  }
0x4f: {  	v54 =	vsel vm0, v29, v37;
	v53 =	vsel vm1, v22, v52;
	[tilespmem:s14+$0x200] =	vst v51  }
0x50: {  	v56 =	vsel vm0, v28, v36;
	v55 =	vsel vm1, v21, v54;
	[tilespmem:s14+$0x210] =	vst v53  }
0x51: {  	v58 =	vsel vm0, v27, v35;
	v57 =	vsel vm1, v20, v56;
	[tilespmem:s14+$0x220] =	vst v55  }
0x52: {  	v60 =	vsel vm0, v26, v33;
	v59 =	vsel vm1, v19, v58;
	v61 =	vperm.xlane v40, v5;
	[tilespmem:s14+$0x230] =	vst v57  }
0x53: {  	v63 =	vsel vm0, v23, v32;
	v62 =	vsel vm1, v18, v60;
	[tilespmem:s14+$0x240] =	vst v59  }
0x54: {  	v46 =	vsel vm0, v24, v34;
	v45 =	vsel vm1, v17, v63;
	[tilespmem:s14+$0x250] =	vst v62;
	vm0 =	veq.s32 v61, $0x1  }
0x55: {  	v47 =	vsel vm1, v16, v46;
	[tilespmem:s14+$0x260] =	vst v45;
	vm1 =	veq.s32 v61, $0x0;
	v48 =	vsel vm0, v31, v39  }
0x56: {  	[tilespmem:s14+$0x270] =	vst v47;
	v50 =	vsel vm0, v30, v38;
	v49 =	vsel vm1, v25, v48  }
0x57: {  	v52 =	vsel vm0, v29, v37;
	v51 =	vsel vm1, v22, v50;
	[tilespmem:s14+$0x280] =	vst v49  }
0x58: {  	v54 =	vsel vm0, v28, v36;
	v53 =	vsel vm1, v21, v52;
	[tilespmem:s14+$0x290] =	vst v51  }
0x59: {  	v56 =	vsel vm0, v27, v35;
	v55 =	vsel vm1, v20, v54;
	[tilespmem:s14+$0x2A0] =	vst v53  }
0x5a: {  	v59 =	vperm.xlane v40, v6;
	v58 =	vsel vm0, v26, v33;
	v57 =	vsel vm1, v19, v56;
	[tilespmem:s14+$0x2B0] =	vst v55  }
0x5b: {  	v61 =	vsel vm0, v23, v32;
	v60 =	vsel vm1, v18, v58;
	[tilespmem:s14+$0x2C0] =	vst v57  }
0x5c: {  	v63 =	vsel vm0, v24, v34;
	vm0 =	veq.s32 v59, $0x1;
	v62 =	vsel vm1, v17, v61;
	[tilespmem:s14+$0x2D0] =	vst v60  }
0x5d: {  	v45 =	vsel vm1, v16, v63;
	vm1 =	veq.s32 v59, $0x0;
	v46 =	vsel vm0, v31, v39;
	[tilespmem:s14+$0x2E0] =	vst v62  }
0x5e: {  	v48 =	vsel vm0, v30, v38;
	[tilespmem:s14+$0x2F0] =	vst v45;
	v47 =	vsel vm1, v25, v46  }
0x5f: {  	v50 =	vsel vm0, v29, v37;
	v49 =	vsel vm1, v22, v48;
	[tilespmem:s14+$0x300] =	vst v47  }
0x60: {  	v52 =	vsel vm0, v28, v36;
	v51 =	vsel vm1, v21, v50;
	[tilespmem:s14+$0x310] =	vst v49  }
0x61: {  	v54 =	vsel vm0, v27, v35;
	v53 =	vsel vm1, v20, v52;
	[tilespmem:s14+$0x320] =	vst v51  }
0x62: {  	v56 =	vsel vm0, v26, v33;
	v55 =	vsel vm1, v19, v54;
	v57 =	vperm.xlane v40, v7;
	[tilespmem:s14+$0x330] =	vst v53  }
0x63: {  	v59 =	vsel vm0, v23, v32;
	v58 =	vsel vm1, v18, v56;
	[tilespmem:s14+$0x340] =	vst v55  }
0x64: {  	v61 =	vsel vm0, v24, v34;
	v60 =	vsel vm1, v17, v59;
	[tilespmem:s14+$0x350] =	vst v58;
	vm0 =	veq.s32 v57, $0x1  }
0x65: {  	v62 =	vsel vm1, v16, v61;
	[tilespmem:s14+$0x360] =	vst v60;
	vm1 =	veq.s32 v57, $0x0;
	v63 =	vsel vm0, v31, v39  }
0x66: {  	[tilespmem:s14+$0x370] =	vst v62;
	v46 =	vsel vm0, v30, v38;
	v45 =	vsel vm1, v25, v63  }
0x67: {  	v48 =	vsel vm0, v29, v37;
	v47 =	vsel vm1, v22, v46;
	[tilespmem:s14+$0x380] =	vst v45  }
0x68: {  	v50 =	vsel vm0, v28, v36;
	v49 =	vsel vm1, v21, v48;
	[tilespmem:s14+$0x390] =	vst v47  }
0x69: {  	v52 =	vsel vm0, v27, v35;
	v51 =	vsel vm1, v20, v50;
	[tilespmem:s14+$0x3A0] =	vst v49  }
0x6a: {  	v55 =	vperm.xlane v40, v8;
	v54 =	vsel vm0, v26, v33;
	v53 =	vsel vm1, v19, v52;
	[tilespmem:s14+$0x3B0] =	vst v51  }
0x6b: {  	v57 =	vsel vm0, v23, v32;
	v56 =	vsel vm1, v18, v54;
	[tilespmem:s14+$0x3C0] =	vst v53  }
0x6c: {  	v59 =	vsel vm0, v24, v34;
	vm0 =	veq.s32 v55, $0x1;
	v58 =	vsel vm1, v17, v57;
	[tilespmem:s14+$0x3D0] =	vst v56  }
0x6d: {  	v60 =	vsel vm1, v16, v59;
	vm1 =	veq.s32 v55, $0x0;
	v61 =	vsel vm0, v31, v39;
	[tilespmem:s14+$0x3E0] =	vst v58  }
0x6e: {  	v63 =	vsel vm0, v30, v38;
	[tilespmem:s14+$0x3F0] =	vst v60;
	v62 =	vsel vm1, v25, v61  }
0x6f: {  	v46 =	vsel vm0, v29, v37;
	v45 =	vsel vm1, v22, v63;
	[tilespmem:s14+$0x400] =	vst v62  }
0x70: {  	v48 =	vsel vm0, v28, v36;
	v47 =	vsel vm1, v21, v46;
	[tilespmem:s14+$0x410] =	vst v45  }
0x71: {  	v50 =	vsel vm0, v27, v35;
	v49 =	vsel vm1, v20, v48;
	[tilespmem:s14+$0x420] =	vst v47  }
0x72: {  	v52 =	vsel vm0, v26, v33;
	v51 =	vsel vm1, v19, v50;
	v53 =	vperm.xlane v40, v9;
	[tilespmem:s14+$0x430] =	vst v49  }
0x73: {  	v55 =	vsel vm0, v23, v32;
	v54 =	vsel vm1, v18, v52;
	[tilespmem:s14+$0x440] =	vst v51  }
0x74: {  	v57 =	vsel vm0, v24, v34;
	v56 =	vsel vm1, v17, v55;
	[tilespmem:s14+$0x450] =	vst v54;
	vm0 =	veq.s32 v53, $0x1  }
0x75: {  	v58 =	vsel vm1, v16, v57;
	[tilespmem:s14+$0x460] =	vst v56;
	vm1 =	veq.s32 v53, $0x0;
	v59 =	vsel vm0, v31, v39  }
0x76: {  	[tilespmem:s14+$0x470] =	vst v58;
	v61 =	vsel vm0, v30, v38;
	v60 =	vsel vm1, v25, v59  }
0x77: {  	v63 =	vsel vm0, v29, v37;
	v62 =	vsel vm1, v22, v61;
	[tilespmem:s14+$0x480] =	vst v60  }
0x78: {  	v46 =	vsel vm0, v28, v36;
	v45 =	vsel vm1, v21, v63;
	[tilespmem:s14+$0x490] =	vst v62  }
0x79: {  	v48 =	vsel vm0, v27, v35;
	v47 =	vsel vm1, v20, v46;
	[tilespmem:s14+$0x4A0] =	vst v45  }
0x7a: {  	v51 =	vperm.xlane v40, v10;
	v50 =	vsel vm0, v26, v33;
	v49 =	vsel vm1, v19, v48;
	[tilespmem:s14+$0x4B0] =	vst v47  }
0x7b: {  	v53 =	vsel vm0, v23, v32;
	v52 =	vsel vm1, v18, v50;
	[tilespmem:s14+$0x4C0] =	vst v49  }
0x7c: {  	v55 =	vsel vm0, v24, v34;
	vm0 =	veq.s32 v51, $0x1;
	v54 =	vsel vm1, v17, v53;
	[tilespmem:s14+$0x4D0] =	vst v52  }
0x7d: {  	v56 =	vsel vm1, v16, v55;
	vm1 =	veq.s32 v51, $0x0;
	v57 =	vsel vm0, v31, v39;
	[tilespmem:s14+$0x4E0] =	vst v54  }
0x7e: {  	v59 =	vsel vm0, v30, v38;
	[tilespmem:s14+$0x4F0] =	vst v56;
	v58 =	vsel vm1, v25, v57  }
0x7f: {  	v61 =	vsel vm0, v29, v37;
	v60 =	vsel vm1, v22, v59;
	[tilespmem:s14+$0x500] =	vst v58  }
0x80: {  	v63 =	vsel vm0, v28, v36;
	v62 =	vsel vm1, v21, v61;
	[tilespmem:s14+$0x510] =	vst v60  }
0x81: {  	v46 =	vsel vm0, v27, v35;
	v45 =	vsel vm1, v20, v63;
	[tilespmem:s14+$0x520] =	vst v62  }
0x82: {  	v48 =	vsel vm0, v26, v33;
	v47 =	vsel vm1, v19, v46;
	v49 =	vperm.xlane v40, v11;
	[tilespmem:s14+$0x530] =	vst v45  }
0x83: {  	v51 =	vsel vm0, v23, v32;
	v50 =	vsel vm1, v18, v48;
	[tilespmem:s14+$0x540] =	vst v47  }
0x84: {  	v53 =	vsel vm0, v24, v34;
	v52 =	vsel vm1, v17, v51;
	[tilespmem:s14+$0x550] =	vst v50;
	vm0 =	veq.s32 v49, $0x1  }
0x85: {  	v54 =	vsel vm1, v16, v53;
	[tilespmem:s14+$0x560] =	vst v52;
	vm1 =	veq.s32 v49, $0x0;
	v55 =	vsel vm0, v31, v39  }
0x86: {  	[tilespmem:s14+$0x570] =	vst v54;
	v57 =	vsel vm0, v30, v38;
	v56 =	vsel vm1, v25, v55  }
0x87: {  	v59 =	vsel vm0, v29, v37;
	v58 =	vsel vm1, v22, v57;
	[tilespmem:s14+$0x580] =	vst v56  }
0x88: {  	v61 =	vsel vm0, v28, v36;
	v60 =	vsel vm1, v21, v59;
	[tilespmem:s14+$0x590] =	vst v58  }
0x89: {  	v63 =	vsel vm0, v27, v35;
	v62 =	vsel vm1, v20, v61;
	[tilespmem:s14+$0x5A0] =	vst v60  }
0x8a: {  	v47 =	vperm.xlane v40, v12;
	v46 =	vsel vm0, v26, v33;
	v45 =	vsel vm1, v19, v63;
	[tilespmem:s14+$0x5B0] =	vst v62  }
0x8b: {  	v49 =	vsel vm0, v23, v32;
	v48 =	vsel vm1, v18, v46;
	[tilespmem:s14+$0x5C0] =	vst v45  }
0x8c: {  	v51 =	vsel vm0, v24, v34;
	vm0 =	veq.s32 v47, $0x1;
	v50 =	vsel vm1, v17, v49;
	[tilespmem:s14+$0x5D0] =	vst v48  }
0x8d: {  	v52 =	vsel vm1, v16, v51;
	vm1 =	veq.s32 v47, $0x0;
	v53 =	vsel vm0, v31, v39;
	[tilespmem:s14+$0x5E0] =	vst v50  }
0x8e: {  	v55 =	vsel vm0, v30, v38;
	[tilespmem:s14+$0x5F0] =	vst v52;
	v54 =	vsel vm1, v25, v53  }
0x8f: {  	v57 =	vsel vm0, v29, v37;
	v56 =	vsel vm1, v22, v55;
	[tilespmem:s14+$0x600] =	vst v54  }
0x90: {  	v59 =	vsel vm0, v28, v36;
	v58 =	vsel vm1, v21, v57;
	[tilespmem:s14+$0x610] =	vst v56  }
0x91: {  	v61 =	vsel vm0, v27, v35;
	v60 =	vsel vm1, v20, v59;
	[tilespmem:s14+$0x620] =	vst v58  }
0x92: {  	v63 =	vsel vm0, v26, v33;
	v62 =	vsel vm1, v19, v61;
	v45 =	vperm.xlane v40, v13;
	[tilespmem:s14+$0x630] =	vst v60  }
0x93: {  	v47 =	vsel vm0, v23, v32;
	v46 =	vsel vm1, v18, v63;
	[tilespmem:s14+$0x640] =	vst v62  }
0x94: {  	v49 =	vsel vm0, v24, v34;
	v48 =	vsel vm1, v17, v47;
	[tilespmem:s14+$0x650] =	vst v46;
	vm0 =	veq.s32 v45, $0x1  }
0x95: {  	v50 =	vsel vm1, v16, v49;
	[tilespmem:s14+$0x660] =	vst v48;
	vm1 =	veq.s32 v45, $0x0;
	v51 =	vsel vm0, v31, v39  }
0x96: {  	[tilespmem:s14+$0x670] =	vst v50;
	v53 =	vsel vm0, v30, v38;
	v52 =	vsel vm1, v25, v51  }
0x97: {  	v55 =	vsel vm0, v29, v37;
	v54 =	vsel vm1, v22, v53;
	[tilespmem:s14+$0x680] =	vst v52  }
0x98: {  	v57 =	vsel vm0, v28, v36;
	v56 =	vsel vm1, v21, v55;
	[tilespmem:s14+$0x690] =	vst v54  }
0x99: {  	v59 =	vsel vm0, v27, v35;
	v58 =	vsel vm1, v20, v57;
	[tilespmem:s14+$0x6A0] =	vst v56  }
0x9a: {  	v62 =	vperm.xlane v40, v14;
	v61 =	vsel vm0, v26, v33;
	v60 =	vsel vm1, v19, v59;
	[tilespmem:s14+$0x6B0] =	vst v58  }
0x9b: {  	v45 =	vsel vm0, v23, v32;
	v63 =	vsel vm1, v18, v61;
	[tilespmem:s14+$0x6C0] =	vst v60  }
0x9c: {  	v47 =	vsel vm0, v24, v34;
	vm0 =	veq.s32 v62, $0x1;
	v46 =	vsel vm1, v17, v45;
	[tilespmem:s14+$0x6D0] =	vst v63  }
0x9d: {  	v48 =	vsel vm1, v16, v47;
	vm1 =	veq.s32 v62, $0x0;
	v49 =	vsel vm0, v31, v39;
	[tilespmem:s14+$0x6E0] =	vst v46  }
0x9e: {  	v51 =	vsel vm0, v30, v38;
	[tilespmem:s14+$0x6F0] =	vst v48;
	v50 =	vsel vm1, v25, v49  }
0x9f: {  	v53 =	vsel vm0, v29, v37;
	v52 =	vsel vm1, v22, v51;
	[tilespmem:s14+$0x700] =	vst v50  }
0xa0: {  	v55 =	vsel vm0, v28, v36;
	v54 =	vsel vm1, v21, v53;
	[tilespmem:s14+$0x710] =	vst v52  }
0xa1: {  	v57 =	vsel vm0, v27, v35;
	v56 =	vsel vm1, v20, v55;
	[tilespmem:s14+$0x720] =	vst v54  }
0xa2: {  	v59 =	vsel vm0, v26, v33;
	v58 =	vsel vm1, v19, v57;
	v60 =	vperm.xlane v40, v15;
	[tilespmem:s14+$0x730] =	vst v56  }
0xa3: {  	v62 =	vsel vm0, v23, v32;
	v61 =	vsel vm1, v18, v59;
	[tilespmem:s14+$0x740] =	vst v58  }
0xa4: {  	s31 =	simm.s32 $0x10;
	v41 =	vsel vm1, v17, v62;
	v63 =	vsel vm0, v24, v34;
	[tilespmem:s14+$0x750] =	vst v61;
	vm0 =	veq.s32 v60, $0x1  }
0xa5: {  	v40 =	vld [tilespmem:s31+$0x0];
	[tilespmem:s14+$0x760] =	vst v41;
	v45 =	vsel vm1, v16, v63;
	vm1 =	veq.s32 v60, $0x0;
	v46 =	vsel vm0, v31, v39  }
0xa6: {  	[tilespmem:s14+$0x770] =	vst v45;
	v48 =	vsel vm0, v30, v38;
	v47 =	vsel vm1, v25, v46  }
0xa7: {  	v50 =	vsel vm0, v29, v37;
	v49 =	vsel vm1, v22, v48;
	[tilespmem:s14+$0x780] =	vst v47  }
0xa8: {  	v52 =	vsel vm0, v28, v36;
	v51 =	vsel vm1, v21, v50;
	[tilespmem:s14+$0x790] =	vst v49  }
0xa9: {  	v54 =	vsel vm0, v27, v35;
	v53 =	vsel vm1, v20, v52;
	[tilespmem:s14+$0x7A0] =	vst v51  }
0xaa: {  	v57 =	vsel vm0, v26, v33;
	v56 =	vsel vm1, v19, v54;
	v55 =	vperm.xlane v40, v0;
	[tilespmem:s14+$0x7B0] =	vst v53  }
0xab: {  	v59 =	vsel vm0, v23, v32;
	v58 =	vsel vm1, v18, v57;
	[tilespmem:s14+$0x7C0] =	vst v56  }
0xac: {  	v61 =	vsel vm0, v24, v34;
	v60 =	vsel vm1, v17, v59;
	[tilespmem:s14+$0x7D0] =	vst v58;
	vm2 =	veq.s32 v55, $0x1  }
0xad: {  	v63 =	vsel vm1, v16, v61;
	[tilespmem:s14+$0x7E0] =	vst v60;
	vm0 =	veq.s32 v55, $0x0;
	v62 =	vsel vm2, v31, v39  }
0xae: {  	s13 =	simm.s32 $0xB80;
	[tilespmem:s14+$0x7F0] =	vst v63;
	v46 =	vsel vm2, v30, v38;
	v45 =	vsel vm0, v25, v62  }
0xaf: {  	v48 =	vsel vm2, v29, v37;
	v47 =	vsel vm0, v22, v46;
	[tilespmem:s13+$0x0] =	vst v45  }
0xb0: {  	v50 =	vsel vm2, v28, v36;
	v49 =	vsel vm0, v21, v48;
	[tilespmem:s13+$0x10] =	vst v47  }
0xb1: {  	v52 =	vsel vm2, v27, v35;
	v51 =	vsel vm0, v20, v50;
	[tilespmem:s13+$0x20] =	vst v49  }
0xb2: {  	v55 =	vperm.xlane v40, v1;
	v54 =	vsel vm2, v26, v33;
	v53 =	vsel vm0, v19, v52;
	[tilespmem:s13+$0x30] =	vst v51  }
0xb3: {  	v57 =	vsel vm2, v23, v32;
	v56 =	vsel vm0, v18, v54;
	[tilespmem:s13+$0x40] =	vst v53  }
0xb4: {  	v59 =	vsel vm2, v24, v34;
	v58 =	vsel vm0, v17, v57;
	vm1 =	veq.s32 v55, $0x1;
	[tilespmem:s13+$0x50] =	vst v56  }
0xb5: {  	v60 =	vsel vm0, v16, v59;
	vm0 =	veq.s32 v55, $0x0;
	[tilespmem:s13+$0x60] =	vst v58;
	v61 =	vsel vm1, v31, v39  }
0xb6: {  	[tilespmem:s13+$0x70] =	vst v60;
	v63 =	vsel vm1, v30, v38;
	v62 =	vsel vm0, v25, v61  }
0xb7: {  	v46 =	vsel vm1, v29, v37;
	v45 =	vsel vm0, v22, v63;
	[tilespmem:s13+$0x80] =	vst v62  }
0xb8: {  	v48 =	vsel vm1, v28, v36;
	v47 =	vsel vm0, v21, v46;
	[tilespmem:s13+$0x90] =	vst v45  }
0xb9: {  	v50 =	vsel vm1, v27, v35;
	v49 =	vsel vm0, v20, v48;
	[tilespmem:s13+$0xA0] =	vst v47  }
0xba: {  	v52 =	vsel vm1, v26, v33;
	v53 =	vperm.xlane v40, v2;
	v51 =	vsel vm0, v19, v50;
	[tilespmem:s13+$0xB0] =	vst v49  }
0xbb: {  	v55 =	vsel vm1, v23, v32;
	v54 =	vsel vm0, v18, v52;
	[tilespmem:s13+$0xC0] =	vst v51  }
0xbc: {  	v57 =	vsel vm1, v24, v34;
	v56 =	vsel vm0, v17, v55;
	[tilespmem:s13+$0xD0] =	vst v54;
	vm1 =	veq.s32 v53, $0x1  }
0xbd: {  	v58 =	vsel vm0, v16, v57;
	[tilespmem:s13+$0xE0] =	vst v56;
	vm0 =	veq.s32 v53, $0x0;
	v59 =	vsel vm1, v31, v39  }
0xbe: {  	[tilespmem:s13+$0xF0] =	vst v58;
	v61 =	vsel vm1, v30, v38;
	v60 =	vsel vm0, v25, v59  }
0xbf: {  	v63 =	vsel vm1, v29, v37;
	v62 =	vsel vm0, v22, v61;
	[tilespmem:s13+$0x100] =	vst v60  }
0xc0: {  	v46 =	vsel vm1, v28, v36;
	v45 =	vsel vm0, v21, v63;
	[tilespmem:s13+$0x110] =	vst v62  }
0xc1: {  	v48 =	vsel vm1, v27, v35;
	v47 =	vsel vm0, v20, v46;
	[tilespmem:s13+$0x120] =	vst v45  }
0xc2: {  	v51 =	vperm.xlane v40, v3;
	v50 =	vsel vm1, v26, v33;
	v49 =	vsel vm0, v19, v48;
	[tilespmem:s13+$0x130] =	vst v47  }
0xc3: {  	v53 =	vsel vm1, v23, v32;
	v52 =	vsel vm0, v18, v50;
	[tilespmem:s13+$0x140] =	vst v49  }
0xc4: {  	v55 =	vsel vm1, v24, v34;
	v54 =	vsel vm0, v17, v53;
	vm1 =	veq.s32 v51, $0x1;
	[tilespmem:s13+$0x150] =	vst v52  }
0xc5: {  	v56 =	vsel vm0, v16, v55;
	vm0 =	veq.s32 v51, $0x0;
	[tilespmem:s13+$0x160] =	vst v54;
	v57 =	vsel vm1, v31, v39  }
0xc6: {  	[tilespmem:s13+$0x170] =	vst v56;
	v59 =	vsel vm1, v30, v38;
	v58 =	vsel vm0, v25, v57  }
0xc7: {  	v61 =	vsel vm1, v29, v37;
	v60 =	vsel vm0, v22, v59;
	[tilespmem:s13+$0x180] =	vst v58  }
0xc8: {  	v63 =	vsel vm1, v28, v36;
	v62 =	vsel vm0, v21, v61;
	[tilespmem:s13+$0x190] =	vst v60  }
0xc9: {  	v46 =	vsel vm1, v27, v35;
	v45 =	vsel vm0, v20, v63;
	[tilespmem:s13+$0x1A0] =	vst v62  }
0xca: {  	v48 =	vsel vm1, v26, v33;
	v49 =	vperm.xlane v40, v4;
	v47 =	vsel vm0, v19, v46;
	[tilespmem:s13+$0x1B0] =	vst v45  }
0xcb: {  	v51 =	vsel vm1, v23, v32;
	v50 =	vsel vm0, v18, v48;
	[tilespmem:s13+$0x1C0] =	vst v47  }
0xcc: {  	v53 =	vsel vm1, v24, v34;
	v52 =	vsel vm0, v17, v51;
	[tilespmem:s13+$0x1D0] =	vst v50;
	vm1 =	veq.s32 v49, $0x1  }
0xcd: {  	v54 =	vsel vm0, v16, v53;
	[tilespmem:s13+$0x1E0] =	vst v52;
	vm0 =	veq.s32 v49, $0x0;
	v55 =	vsel vm1, v31, v39  }
0xce: {  	[tilespmem:s13+$0x1F0] =	vst v54;
	v57 =	vsel vm1, v30, v38;
	v56 =	vsel vm0, v25, v55  }
0xcf: {  	v59 =	vsel vm1, v29, v37;
	v58 =	vsel vm0, v22, v57;
	[tilespmem:s13+$0x200] =	vst v56  }
0xd0: {  	v61 =	vsel vm1, v28, v36;
	v60 =	vsel vm0, v21, v59;
	[tilespmem:s13+$0x210] =	vst v58  }
0xd1: {  	v63 =	vsel vm1, v27, v35;
	v62 =	vsel vm0, v20, v61;
	[tilespmem:s13+$0x220] =	vst v60  }
0xd2: {  	v47 =	vperm.xlane v40, v5;
	v46 =	vsel vm1, v26, v33;
	v45 =	vsel vm0, v19, v63;
	[tilespmem:s13+$0x230] =	vst v62  }
0xd3: {  	v49 =	vsel vm1, v23, v32;
	v48 =	vsel vm0, v18, v46;
	[tilespmem:s13+$0x240] =	vst v45  }
0xd4: {  	v51 =	vsel vm1, v24, v34;
	v50 =	vsel vm0, v17, v49;
	vm1 =	veq.s32 v47, $0x1;
	[tilespmem:s13+$0x250] =	vst v48  }
0xd5: {  	v52 =	vsel vm0, v16, v51;
	vm0 =	veq.s32 v47, $0x0;
	[tilespmem:s13+$0x260] =	vst v50;
	v53 =	vsel vm1, v31, v39  }
0xd6: {  	[tilespmem:s13+$0x270] =	vst v52;
	v55 =	vsel vm1, v30, v38;
	v54 =	vsel vm0, v25, v53  }
0xd7: {  	v57 =	vsel vm1, v29, v37;
	v56 =	vsel vm0, v22, v55;
	[tilespmem:s13+$0x280] =	vst v54  }
0xd8: {  	v59 =	vsel vm1, v28, v36;
	v58 =	vsel vm0, v21, v57;
	[tilespmem:s13+$0x290] =	vst v56  }
0xd9: {  	v61 =	vsel vm1, v27, v35;
	v60 =	vsel vm0, v20, v59;
	[tilespmem:s13+$0x2A0] =	vst v58  }
0xda: {  	v63 =	vsel vm1, v26, v33;
	v45 =	vperm.xlane v40, v6;
	v62 =	vsel vm0, v19, v61;
	[tilespmem:s13+$0x2B0] =	vst v60  }
0xdb: {  	v47 =	vsel vm1, v23, v32;
	v46 =	vsel vm0, v18, v63;
	[tilespmem:s13+$0x2C0] =	vst v62  }
0xdc: {  	v49 =	vsel vm1, v24, v34;
	v48 =	vsel vm0, v17, v47;
	[tilespmem:s13+$0x2D0] =	vst v46;
	vm1 =	veq.s32 v45, $0x1  }
0xdd: {  	v50 =	vsel vm0, v16, v49;
	[tilespmem:s13+$0x2E0] =	vst v48;
	vm0 =	veq.s32 v45, $0x0;
	v51 =	vsel vm1, v31, v39  }
0xde: {  	[tilespmem:s13+$0x2F0] =	vst v50;
	v53 =	vsel vm1, v30, v38;
	v52 =	vsel vm0, v25, v51  }
0xdf: {  	v55 =	vsel vm1, v29, v37;
	v54 =	vsel vm0, v22, v53;
	[tilespmem:s13+$0x300] =	vst v52  }
0xe0: {  	v57 =	vsel vm1, v28, v36;
	v56 =	vsel vm0, v21, v55;
	[tilespmem:s13+$0x310] =	vst v54  }
0xe1: {  	v59 =	vsel vm1, v27, v35;
	v58 =	vsel vm0, v20, v57;
	[tilespmem:s13+$0x320] =	vst v56  }
0xe2: {  	v62 =	vperm.xlane v40, v7;
	v61 =	vsel vm1, v26, v33;
	v60 =	vsel vm0, v19, v59;
	[tilespmem:s13+$0x330] =	vst v58  }
0xe3: {  	v45 =	vsel vm1, v23, v32;
	v63 =	vsel vm0, v18, v61;
	[tilespmem:s13+$0x340] =	vst v60  }
0xe4: {  	v47 =	vsel vm1, v24, v34;
	v46 =	vsel vm0, v17, v45;
	vm1 =	veq.s32 v62, $0x1;
	[tilespmem:s13+$0x350] =	vst v63  }
0xe5: {  	v48 =	vsel vm0, v16, v47;
	vm0 =	veq.s32 v62, $0x0;
	[tilespmem:s13+$0x360] =	vst v46;
	v49 =	vsel vm1, v31, v39  }
0xe6: {  	[tilespmem:s13+$0x370] =	vst v48;
	v51 =	vsel vm1, v30, v38;
	v50 =	vsel vm0, v25, v49  }
0xe7: {  	v53 =	vsel vm1, v29, v37;
	v52 =	vsel vm0, v22, v51;
	[tilespmem:s13+$0x380] =	vst v50  }
0xe8: {  	v55 =	vsel vm1, v28, v36;
	v54 =	vsel vm0, v21, v53;
	[tilespmem:s13+$0x390] =	vst v52  }
0xe9: {  	v57 =	vsel vm1, v27, v35;
	v56 =	vsel vm0, v20, v55;
	[tilespmem:s13+$0x3A0] =	vst v54  }
0xea: {  	v59 =	vsel vm1, v26, v33;
	v60 =	vperm.xlane v40, v8;
	v58 =	vsel vm0, v19, v57;
	[tilespmem:s13+$0x3B0] =	vst v56  }
0xeb: {  	v62 =	vsel vm1, v23, v32;
	v61 =	vsel vm0, v18, v59;
	[tilespmem:s13+$0x3C0] =	vst v58  }
0xec: {  	v45 =	vsel vm1, v24, v34;
	v63 =	vsel vm0, v17, v62;
	[tilespmem:s13+$0x3D0] =	vst v61;
	vm1 =	veq.s32 v60, $0x1  }
0xed: {  	v46 =	vsel vm0, v16, v45;
	[tilespmem:s13+$0x3E0] =	vst v63;
	vm0 =	veq.s32 v60, $0x0;
	v47 =	vsel vm1, v31, v39  }
0xee: {  	[tilespmem:s13+$0x3F0] =	vst v46;
	v49 =	vsel vm1, v30, v38;
	v48 =	vsel vm0, v25, v47  }
0xef: {  	v51 =	vsel vm1, v29, v37;
	v50 =	vsel vm0, v22, v49;
	[tilespmem:s13+$0x400] =	vst v48  }
0xf0: {  	v53 =	vsel vm1, v28, v36;
	v52 =	vsel vm0, v21, v51;
	[tilespmem:s13+$0x410] =	vst v50  }
0xf1: {  	v55 =	vsel vm1, v27, v35;
	v54 =	vsel vm0, v20, v53;
	[tilespmem:s13+$0x420] =	vst v52  }
0xf2: {  	v58 =	vperm.xlane v40, v9;
	v57 =	vsel vm1, v26, v33;
	v56 =	vsel vm0, v19, v55;
	[tilespmem:s13+$0x430] =	vst v54  }
0xf3: {  	v60 =	vsel vm1, v23, v32;
	v59 =	vsel vm0, v18, v57;
	[tilespmem:s13+$0x440] =	vst v56  }
0xf4: {  	v62 =	vsel vm1, v24, v34;
	v61 =	vsel vm0, v17, v60;
	vm1 =	veq.s32 v58, $0x1;
	[tilespmem:s13+$0x450] =	vst v59  }
0xf5: {  	v63 =	vsel vm0, v16, v62;
	vm0 =	veq.s32 v58, $0x0;
	[tilespmem:s13+$0x460] =	vst v61;
	v45 =	vsel vm1, v31, v39  }
0xf6: {  	[tilespmem:s13+$0x470] =	vst v63;
	v47 =	vsel vm1, v30, v38;
	v46 =	vsel vm0, v25, v45  }
0xf7: {  	v49 =	vsel vm1, v29, v37;
	v48 =	vsel vm0, v22, v47;
	[tilespmem:s13+$0x480] =	vst v46  }
0xf8: {  	v51 =	vsel vm1, v28, v36;
	v50 =	vsel vm0, v21, v49;
	[tilespmem:s13+$0x490] =	vst v48  }
0xf9: {  	v53 =	vsel vm1, v27, v35;
	v52 =	vsel vm0, v20, v51;
	[tilespmem:s13+$0x4A0] =	vst v50  }
0xfa: {  	v55 =	vsel vm1, v26, v33;
	v56 =	vperm.xlane v40, v10;
	v54 =	vsel vm0, v19, v53;
	[tilespmem:s13+$0x4B0] =	vst v52  }
0xfb: {  	v58 =	vsel vm1, v23, v32;
	v57 =	vsel vm0, v18, v55;
	[tilespmem:s13+$0x4C0] =	vst v54  }
0xfc: {  	v60 =	vsel vm1, v24, v34;
	v59 =	vsel vm0, v17, v58;
	[tilespmem:s13+$0x4D0] =	vst v57;
	vm1 =	veq.s32 v56, $0x1  }
0xfd: {  	v61 =	vsel vm0, v16, v60;
	[tilespmem:s13+$0x4E0] =	vst v59;
	vm0 =	veq.s32 v56, $0x0;
	v62 =	vsel vm1, v31, v39  }
0xfe: {  	[tilespmem:s13+$0x4F0] =	vst v61;
	v45 =	vsel vm1, v30, v38;
	v63 =	vsel vm0, v25, v62  }
0xff: {  	v47 =	vsel vm1, v29, v37;
	v46 =	vsel vm0, v22, v45;
	[tilespmem:s13+$0x500] =	vst v63  }
0x100: {  	v49 =	vsel vm1, v28, v36;
	v48 =	vsel vm0, v21, v47;
	[tilespmem:s13+$0x510] =	vst v46  }
0x101: {  	v51 =	vsel vm1, v27, v35;
	v50 =	vsel vm0, v20, v49;
	[tilespmem:s13+$0x520] =	vst v48  }
0x102: {  	v54 =	vperm.xlane v40, v11;
	v53 =	vsel vm1, v26, v33;
	v52 =	vsel vm0, v19, v51;
	[tilespmem:s13+$0x530] =	vst v50  }
0x103: {  	v56 =	vsel vm1, v23, v32;
	v55 =	vsel vm0, v18, v53;
	[tilespmem:s13+$0x540] =	vst v52  }
0x104: {  	v58 =	vsel vm1, v24, v34;
	v57 =	vsel vm0, v17, v56;
	vm1 =	veq.s32 v54, $0x1;
	[tilespmem:s13+$0x550] =	vst v55  }
0x105: {  	v59 =	vsel vm0, v16, v58;
	vm0 =	veq.s32 v54, $0x0;
	[tilespmem:s13+$0x560] =	vst v57;
	v60 =	vsel vm1, v31, v39  }
0x106: {  	[tilespmem:s13+$0x570] =	vst v59;
	v62 =	vsel vm1, v30, v38;
	v61 =	vsel vm0, v25, v60  }
0x107: {  	v45 =	vsel vm1, v29, v37;
	v63 =	vsel vm0, v22, v62;
	[tilespmem:s13+$0x580] =	vst v61  }
0x108: {  	v47 =	vsel vm1, v28, v36;
	v46 =	vsel vm0, v21, v45;
	[tilespmem:s13+$0x590] =	vst v63  }
0x109: {  	v49 =	vsel vm1, v27, v35;
	v48 =	vsel vm0, v20, v47;
	[tilespmem:s13+$0x5A0] =	vst v46  }
0x10a: {  	v51 =	vsel vm1, v26, v33;
	v52 =	vperm.xlane v40, v12;
	v50 =	vsel vm0, v19, v49;
	[tilespmem:s13+$0x5B0] =	vst v48  }
0x10b: {  	v54 =	vsel vm1, v23, v32;
	v53 =	vsel vm0, v18, v51;
	[tilespmem:s13+$0x5C0] =	vst v50  }
0x10c: {  	v56 =	vsel vm1, v24, v34;
	v55 =	vsel vm0, v17, v54;
	[tilespmem:s13+$0x5D0] =	vst v53;
	vm1 =	veq.s32 v52, $0x1  }
0x10d: {  	v57 =	vsel vm0, v16, v56;
	[tilespmem:s13+$0x5E0] =	vst v55;
	vm0 =	veq.s32 v52, $0x0;
	v58 =	vsel vm1, v31, v39  }
0x10e: {  	[tilespmem:s13+$0x5F0] =	vst v57;
	v60 =	vsel vm1, v30, v38;
	v59 =	vsel vm0, v25, v58  }
0x10f: {  	v62 =	vsel vm1, v29, v37;
	v61 =	vsel vm0, v22, v60;
	[tilespmem:s13+$0x600] =	vst v59  }
0x110: {  	v45 =	vsel vm1, v28, v36;
	v63 =	vsel vm0, v21, v62;
	[tilespmem:s13+$0x610] =	vst v61  }
0x111: {  	v47 =	vsel vm1, v27, v35;
	v46 =	vsel vm0, v20, v45;
	[tilespmem:s13+$0x620] =	vst v63  }
0x112: {  	v50 =	vperm.xlane v40, v13;
	v49 =	vsel vm1, v26, v33;
	v48 =	vsel vm0, v19, v47;
	[tilespmem:s13+$0x630] =	vst v46  }
0x113: {  	v52 =	vsel vm1, v23, v32;
	v51 =	vsel vm0, v18, v49;
	[tilespmem:s13+$0x640] =	vst v48  }
0x114: {  	v54 =	vsel vm1, v24, v34;
	v53 =	vsel vm0, v17, v52;
	vm1 =	veq.s32 v50, $0x1;
	[tilespmem:s13+$0x650] =	vst v51  }
0x115: {  	v55 =	vsel vm0, v16, v54;
	vm0 =	veq.s32 v50, $0x0;
	[tilespmem:s13+$0x660] =	vst v53;
	v56 =	vsel vm1, v31, v39  }
0x116: {  	[tilespmem:s13+$0x670] =	vst v55;
	v58 =	vsel vm1, v30, v38;
	v57 =	vsel vm0, v25, v56  }
0x117: {  	v60 =	vsel vm1, v29, v37;
	v59 =	vsel vm0, v22, v58;
	[tilespmem:s13+$0x680] =	vst v57  }
0x118: {  	v62 =	vsel vm1, v28, v36;
	v61 =	vsel vm0, v21, v60;
	[tilespmem:s13+$0x690] =	vst v59  }
0x119: {  	v45 =	vsel vm1, v27, v35;
	v63 =	vsel vm0, v20, v62;
	[tilespmem:s13+$0x6A0] =	vst v61  }
0x11a: {  	v47 =	vsel vm1, v26, v33;
	v48 =	vperm.xlane v40, v14;
	v46 =	vsel vm0, v19, v45;
	[tilespmem:s13+$0x6B0] =	vst v63  }
0x11b: {  	v50 =	vsel vm1, v23, v32;
	v49 =	vsel vm0, v18, v47;
	[tilespmem:s13+$0x6C0] =	vst v46  }
0x11c: {  	v52 =	vsel vm1, v24, v34;
	v51 =	vsel vm0, v17, v50;
	[tilespmem:s13+$0x6D0] =	vst v49;
	vm1 =	veq.s32 v48, $0x1  }
0x11d: {  	v53 =	vsel vm0, v16, v52;
	[tilespmem:s13+$0x6E0] =	vst v51;
	vm0 =	veq.s32 v48, $0x0;
	v54 =	vsel vm1, v31, v39  }
0x11e: {  	[tilespmem:s13+$0x6F0] =	vst v53;
	v56 =	vsel vm1, v30, v38;
	v55 =	vsel vm0, v25, v54  }
0x11f: {  	v58 =	vsel vm1, v29, v37;
	v57 =	vsel vm0, v22, v56;
	[tilespmem:s13+$0x700] =	vst v55  }
0x120: {  	v60 =	vsel vm1, v28, v36;
	v59 =	vsel vm0, v21, v58;
	[tilespmem:s13+$0x710] =	vst v57  }
0x121: {  	v62 =	vsel vm1, v27, v35;
	v61 =	vsel vm0, v20, v60;
	[tilespmem:s13+$0x720] =	vst v59  }
0x122: {  	v41 =	vperm.xlane v40, v15;
	[hbm4b:s6+s2] =	stream.linear.scatter [tilespmem:s14], [sflag:$0x2], $0x800, $0x38;
	v63 =	vsel vm1, v26, v33;
	v42 =	vsel vm0, v19, v62;
	[tilespmem:s13+$0x730] =	vst v61  }
0x123: {  	s16 =	simm.s32 $0x80;
	s15 =	simm.s32 $0xB80;
	s14 =	smov.u32 s6;
	v40 =	vsel vm0, v18, v63;
	[tilespmem:s13+$0x740] =	vst v42;
	v42 =	vsel vm1, v23, v32  }
.LBB2_2:
0x124: {  	s17 =	sshra.s32 s16, $0x2;
	p0 =	sne.s32 s16, $0x7C0;
	[tilespmem:s13+$0x750] =	vst v40;
	v42 =	vsel vm0, v17, v42;
	v43 =	vsel vm1, v24, v34;
	vm1 =	veq.s32 v41, $0x1  }
0x125: {  	vm2 =	veq.s32 v41, $0x0;
	v40 =	vld [tilespmem:s17+$0x0];
	[tilespmem:s13+$0x760] =	vst v42;
	v42 =	vsel vm0, v16, v43;
	v41 =	vsel vm1, v31, v39  }
0x126: {  	[tilespmem:s13+$0x770] =	vst v42;
	v41 =	vsel vm2, v25, v41;
	v42 =	vsel vm1, v30, v38  }
0x127: {  	[tilespmem:s13+$0x780] =	vst v41;
	v41 =	vsel vm2, v22, v42;
	v42 =	vsel vm1, v29, v37  }
0x128: {  	[tilespmem:s13+$0x790] =	vst v41;
	v41 =	vsel vm2, v21, v42;
	v42 =	vsel vm1, v28, v36  }
0x129: {  	[tilespmem:s13+$0x7A0] =	vst v41;
	v41 =	vsel vm2, v20, v42;
	v42 =	vsel vm1, v27, v35  }
0x12a: {  	v43 =	vperm.xlane v40, v0;
	[tilespmem:s13+$0x7B0] =	vst v41;
	v41 =	vsel vm2, v19, v42;
	v42 =	vsel vm1, v26, v33  }
0x12b: {  	[tilespmem:s13+$0x7C0] =	vst v41;
	v41 =	vsel vm2, v18, v42;
	v42 =	vsel vm1, v23, v32  }
0x12c: {  	vm0 =	veq.s32 v43, $0x1;
	[tilespmem:s13+$0x7D0] =	vst v41;
	v41 =	vsel vm2, v17, v42;
	v42 =	vsel vm1, v24, v34  }
0x12d: {  	s14 =	sadd.s32 $0x100, s14;
	vm1 =	veq.s32 v43, $0x0;
	s13 =	sadd.s32 $0x800, s13;
	v43 =	vsel vm0, v31, v39;
	[tilespmem:s15+$0x7E0] =	vst v41;
	v41 =	vsel vm2, v16, v42  }
0x12e: {  	v42 =	vsel vm1, v25, v43;
	v43 =	vsel vm0, v30, v38;
	[tilespmem:s15+$0x7F0] =	vst v41;
	[hbm4b:s14+s2] =	stream.linear.scatter [tilespmem:s15], [sflag:$0x2], $0x800, $0x38  }
0x12f: {  	s15 =	smov.u32 s13;
	[tilespmem:s13+$0x0] =	vst v42;
	v41 =	vsel vm1, v22, v43;
	v42 =	vsel vm0, v29, v37  }
0x130: {  	[tilespmem:s13+$0x10] =	vst v41;
	v41 =	vsel vm1, v21, v42;
	v42 =	vsel vm0, v28, v36  }
0x131: {  	[tilespmem:s13+$0x20] =	vst v41;
	v41 =	vsel vm1, v20, v42;
	v42 =	vsel vm0, v27, v35  }
0x132: {  	v43 =	vperm.xlane v40, v1;
	[tilespmem:s13+$0x30] =	vst v41;
	v41 =	vsel vm1, v19, v42;
	v42 =	vsel vm0, v26, v33  }
0x133: {  	[tilespmem:s13+$0x40] =	vst v41;
	v41 =	vsel vm1, v18, v42;
	v42 =	vsel vm0, v23, v32  }
0x134: {  	vm2 =	veq.s32 v43, $0x1;
	[tilespmem:s13+$0x50] =	vst v41;
	v41 =	vsel vm1, v17, v42;
	v42 =	vsel vm0, v24, v34  }
0x135: {  	vm0 =	veq.s32 v43, $0x0;
	[tilespmem:s13+$0x60] =	vst v41;
	v41 =	vsel vm1, v16, v42;
	v42 =	vsel vm2, v31, v39  }
0x136: {  	[tilespmem:s13+$0x70] =	vst v41;
	v41 =	vsel vm0, v25, v42;
	v42 =	vsel vm2, v30, v38  }
0x137: {  	[tilespmem:s13+$0x80] =	vst v41;
	v41 =	vsel vm0, v22, v42;
	v42 =	vsel vm2, v29, v37  }
0x138: {  	[tilespmem:s13+$0x90] =	vst v41;
	v41 =	vsel vm0, v21, v42;
	v42 =	vsel vm2, v28, v36  }
0x139: {  	[tilespmem:s13+$0xA0] =	vst v41;
	v41 =	vsel vm0, v20, v42;
	v42 =	vsel vm2, v27, v35  }
0x13a: {  	v43 =	vperm.xlane v40, v2;
	[tilespmem:s13+$0xB0] =	vst v41;
	v41 =	vsel vm0, v19, v42;
	v42 =	vsel vm2, v26, v33  }
0x13b: {  	[tilespmem:s13+$0xC0] =	vst v41;
	v41 =	vsel vm0, v18, v42;
	v42 =	vsel vm2, v23, v32  }
0x13c: {  	vm1 =	veq.s32 v43, $0x1;
	[tilespmem:s13+$0xD0] =	vst v41;
	v41 =	vsel vm0, v17, v42;
	v42 =	vsel vm2, v24, v34  }
0x13d: {  	[tilespmem:s13+$0xE0] =	vst v41;
	v41 =	vsel vm0, v16, v42;
	vm0 =	veq.s32 v43, $0x0;
	v42 =	vsel vm1, v31, v39  }
0x13e: {  	[tilespmem:s13+$0xF0] =	vst v41;
	v41 =	vsel vm0, v25, v42;
	v42 =	vsel vm1, v30, v38  }
0x13f: {  	[tilespmem:s13+$0x100] =	vst v41;
	v41 =	vsel vm0, v22, v42;
	v42 =	vsel vm1, v29, v37  }
0x140: {  	[tilespmem:s13+$0x110] =	vst v41;
	v41 =	vsel vm0, v21, v42;
	v42 =	vsel vm1, v28, v36  }
0x141: {  	[tilespmem:s13+$0x120] =	vst v41;
	v41 =	vsel vm0, v20, v42;
	v42 =	vsel vm1, v27, v35  }
0x142: {  	v43 =	vperm.xlane v40, v3;
	[tilespmem:s13+$0x130] =	vst v41;
	v41 =	vsel vm0, v19, v42;
	v42 =	vsel vm1, v26, v33  }
0x143: {  	[tilespmem:s13+$0x140] =	vst v41;
	v41 =	vsel vm0, v18, v42;
	v42 =	vsel vm1, v23, v32  }
0x144: {  	[tilespmem:s13+$0x150] =	vst v41;
	v41 =	vsel vm0, v17, v42;
	v42 =	vsel vm1, v24, v34;
	vm1 =	veq.s32 v43, $0x1  }
0x145: {  	[tilespmem:s13+$0x160] =	vst v41;
	v41 =	vsel vm0, v16, v42;
	vm0 =	veq.s32 v43, $0x0;
	v42 =	vsel vm1, v31, v39  }
0x146: {  	[tilespmem:s13+$0x170] =	vst v41;
	v41 =	vsel vm0, v25, v42;
	v42 =	vsel vm1, v30, v38  }
0x147: {  	[tilespmem:s13+$0x180] =	vst v41;
	v41 =	vsel vm0, v22, v42;
	v42 =	vsel vm1, v29, v37  }
0x148: {  	[tilespmem:s13+$0x190] =	vst v41;
	v41 =	vsel vm0, v21, v42;
	v42 =	vsel vm1, v28, v36  }
0x149: {  	[tilespmem:s13+$0x1A0] =	vst v41;
	v41 =	vsel vm0, v20, v42;
	v42 =	vsel vm1, v27, v35  }
0x14a: {  	v43 =	vperm.xlane v40, v4;
	[tilespmem:s13+$0x1B0] =	vst v41;
	v41 =	vsel vm0, v19, v42;
	v42 =	vsel vm1, v26, v33  }
0x14b: {  	[tilespmem:s13+$0x1C0] =	vst v41;
	v41 =	vsel vm0, v18, v42;
	v42 =	vsel vm1, v23, v32  }
0x14c: {  	[tilespmem:s13+$0x1D0] =	vst v41;
	v41 =	vsel vm0, v17, v42;
	v42 =	vsel vm1, v24, v34;
	vm1 =	veq.s32 v43, $0x1  }
0x14d: {  	[tilespmem:s13+$0x1E0] =	vst v41;
	v41 =	vsel vm0, v16, v42;
	vm0 =	veq.s32 v43, $0x0;
	v42 =	vsel vm1, v31, v39  }
0x14e: {  	[tilespmem:s13+$0x1F0] =	vst v41;
	v41 =	vsel vm0, v25, v42;
	v42 =	vsel vm1, v30, v38  }
0x14f: {  	[tilespmem:s13+$0x200] =	vst v41;
	v41 =	vsel vm0, v22, v42;
	v42 =	vsel vm1, v29, v37  }
0x150: {  	[tilespmem:s13+$0x210] =	vst v41;
	v41 =	vsel vm0, v21, v42;
	v42 =	vsel vm1, v28, v36  }
0x151: {  	[tilespmem:s13+$0x220] =	vst v41;
	v41 =	vsel vm0, v20, v42;
	v42 =	vsel vm1, v27, v35  }
0x152: {  	v43 =	vperm.xlane v40, v5;
	[tilespmem:s13+$0x230] =	vst v41;
	v41 =	vsel vm0, v19, v42;
	v42 =	vsel vm1, v26, v33  }
0x153: {  	[tilespmem:s13+$0x240] =	vst v41;
	v41 =	vsel vm0, v18, v42;
	v42 =	vsel vm1, v23, v32  }
0x154: {  	[tilespmem:s13+$0x250] =	vst v41;
	v41 =	vsel vm0, v17, v42;
	v42 =	vsel vm1, v24, v34;
	vm1 =	veq.s32 v43, $0x1  }
0x155: {  	[tilespmem:s13+$0x260] =	vst v41;
	v41 =	vsel vm0, v16, v42;
	vm0 =	veq.s32 v43, $0x0;
	v42 =	vsel vm1, v31, v39  }
0x156: {  	[tilespmem:s13+$0x270] =	vst v41;
	v41 =	vsel vm0, v25, v42;
	v42 =	vsel vm1, v30, v38  }
0x157: {  	[tilespmem:s13+$0x280] =	vst v41;
	v41 =	vsel vm0, v22, v42;
	v42 =	vsel vm1, v29, v37  }
0x158: {  	[tilespmem:s13+$0x290] =	vst v41;
	v41 =	vsel vm0, v21, v42;
	v42 =	vsel vm1, v28, v36  }
0x159: {  	[tilespmem:s13+$0x2A0] =	vst v41;
	v41 =	vsel vm0, v20, v42;
	v42 =	vsel vm1, v27, v35  }
0x15a: {  	v43 =	vperm.xlane v40, v6;
	[tilespmem:s13+$0x2B0] =	vst v41;
	v41 =	vsel vm0, v19, v42;
	v42 =	vsel vm1, v26, v33  }
0x15b: {  	[tilespmem:s13+$0x2C0] =	vst v41;
	v41 =	vsel vm0, v18, v42;
	v42 =	vsel vm1, v23, v32  }
0x15c: {  	[tilespmem:s13+$0x2D0] =	vst v41;
	v41 =	vsel vm0, v17, v42;
	v42 =	vsel vm1, v24, v34;
	vm1 =	veq.s32 v43, $0x1  }
0x15d: {  	[tilespmem:s13+$0x2E0] =	vst v41;
	v41 =	vsel vm0, v16, v42;
	vm0 =	veq.s32 v43, $0x0;
	v42 =	vsel vm1, v31, v39  }
0x15e: {  	[tilespmem:s13+$0x2F0] =	vst v41;
	v41 =	vsel vm0, v25, v42;
	v42 =	vsel vm1, v30, v38  }
0x15f: {  	[tilespmem:s13+$0x300] =	vst v41;
	v41 =	vsel vm0, v22, v42;
	v42 =	vsel vm1, v29, v37  }
0x160: {  	[tilespmem:s13+$0x310] =	vst v41;
	v41 =	vsel vm0, v21, v42;
	v42 =	vsel vm1, v28, v36  }
0x161: {  	[tilespmem:s13+$0x320] =	vst v41;
	v41 =	vsel vm0, v20, v42;
	v42 =	vsel vm1, v27, v35  }
0x162: {  	v43 =	vperm.xlane v40, v7;
	[tilespmem:s13+$0x330] =	vst v41;
	v41 =	vsel vm0, v19, v42;
	v42 =	vsel vm1, v26, v33  }
0x163: {  	[tilespmem:s13+$0x340] =	vst v41;
	v41 =	vsel vm0, v18, v42;
	v42 =	vsel vm1, v23, v32  }
0x164: {  	[tilespmem:s13+$0x350] =	vst v41;
	v41 =	vsel vm0, v17, v42;
	v42 =	vsel vm1, v24, v34;
	vm1 =	veq.s32 v43, $0x1  }
0x165: {  	[tilespmem:s13+$0x360] =	vst v41;
	v41 =	vsel vm0, v16, v42;
	vm0 =	veq.s32 v43, $0x0;
	v42 =	vsel vm1, v31, v39  }
0x166: {  	[tilespmem:s13+$0x370] =	vst v41;
	v41 =	vsel vm0, v25, v42;
	v42 =	vsel vm1, v30, v38  }
0x167: {  	[tilespmem:s13+$0x380] =	vst v41;
	v41 =	vsel vm0, v22, v42;
	v42 =	vsel vm1, v29, v37  }
0x168: {  	[tilespmem:s13+$0x390] =	vst v41;
	v41 =	vsel vm0, v21, v42;
	v42 =	vsel vm1, v28, v36  }
0x169: {  	[tilespmem:s13+$0x3A0] =	vst v41;
	v41 =	vsel vm0, v20, v42;
	v42 =	vsel vm1, v27, v35  }
0x16a: {  	v43 =	vperm.xlane v40, v8;
	[tilespmem:s13+$0x3B0] =	vst v41;
	v41 =	vsel vm0, v19, v42;
	v42 =	vsel vm1, v26, v33  }
0x16b: {  	[tilespmem:s13+$0x3C0] =	vst v41;
	v41 =	vsel vm0, v18, v42;
	v42 =	vsel vm1, v23, v32  }
0x16c: {  	[tilespmem:s13+$0x3D0] =	vst v41;
	v41 =	vsel vm0, v17, v42;
	v42 =	vsel vm1, v24, v34;
	vm1 =	veq.s32 v43, $0x1  }
0x16d: {  	[tilespmem:s13+$0x3E0] =	vst v41;
	v41 =	vsel vm0, v16, v42;
	vm0 =	veq.s32 v43, $0x0;
	v42 =	vsel vm1, v31, v39  }
0x16e: {  	[tilespmem:s13+$0x3F0] =	vst v41;
	v41 =	vsel vm0, v25, v42;
	v42 =	vsel vm1, v30, v38  }
0x16f: {  	[tilespmem:s13+$0x400] =	vst v41;
	v41 =	vsel vm0, v22, v42;
	v42 =	vsel vm1, v29, v37  }
0x170: {  	[tilespmem:s13+$0x410] =	vst v41;
	v41 =	vsel vm0, v21, v42;
	v42 =	vsel vm1, v28, v36  }
0x171: {  	[tilespmem:s13+$0x420] =	vst v41;
	v41 =	vsel vm0, v20, v42;
	v42 =	vsel vm1, v27, v35  }
0x172: {  	v43 =	vperm.xlane v40, v9;
	[tilespmem:s13+$0x430] =	vst v41;
	v41 =	vsel vm0, v19, v42;
	v42 =	vsel vm1, v26, v33  }
0x173: {  	[tilespmem:s13+$0x440] =	vst v41;
	v41 =	vsel vm0, v18, v42;
	v42 =	vsel vm1, v23, v32  }
0x174: {  	[tilespmem:s13+$0x450] =	vst v41;
	v41 =	vsel vm0, v17, v42;
	v42 =	vsel vm1, v24, v34;
	vm1 =	veq.s32 v43, $0x1  }
0x175: {  	[tilespmem:s13+$0x460] =	vst v41;
	v41 =	vsel vm0, v16, v42;
	vm0 =	veq.s32 v43, $0x0;
	v42 =	vsel vm1, v31, v39  }
0x176: {  	[tilespmem:s13+$0x470] =	vst v41;
	v41 =	vsel vm0, v25, v42;
	v42 =	vsel vm1, v30, v38  }
0x177: {  	[tilespmem:s13+$0x480] =	vst v41;
	v41 =	vsel vm0, v22, v42;
	v42 =	vsel vm1, v29, v37  }
0x178: {  	[tilespmem:s13+$0x490] =	vst v41;
	v41 =	vsel vm0, v21, v42;
	v42 =	vsel vm1, v28, v36  }
0x179: {  	[tilespmem:s13+$0x4A0] =	vst v41;
	v41 =	vsel vm0, v20, v42;
	v42 =	vsel vm1, v27, v35  }
0x17a: {  	v43 =	vperm.xlane v40, v10;
	[tilespmem:s13+$0x4B0] =	vst v41;
	v41 =	vsel vm0, v19, v42;
	v42 =	vsel vm1, v26, v33  }
0x17b: {  	[tilespmem:s13+$0x4C0] =	vst v41;
	v41 =	vsel vm0, v18, v42;
	v42 =	vsel vm1, v23, v32  }
0x17c: {  	[tilespmem:s13+$0x4D0] =	vst v41;
	v41 =	vsel vm0, v17, v42;
	v42 =	vsel vm1, v24, v34;
	vm1 =	veq.s32 v43, $0x1  }
0x17d: {  	[tilespmem:s13+$0x4E0] =	vst v41;
	v41 =	vsel vm0, v16, v42;
	vm0 =	veq.s32 v43, $0x0;
	v42 =	vsel vm1, v31, v39  }
0x17e: {  	[tilespmem:s13+$0x4F0] =	vst v41;
	v41 =	vsel vm0, v25, v42;
	v42 =	vsel vm1, v30, v38  }
0x17f: {  	[tilespmem:s13+$0x500] =	vst v41;
	v41 =	vsel vm0, v22, v42;
	v42 =	vsel vm1, v29, v37  }
0x180: {  	[tilespmem:s13+$0x510] =	vst v41;
	v41 =	vsel vm0, v21, v42;
	v42 =	vsel vm1, v28, v36  }
0x181: {  	[tilespmem:s13+$0x520] =	vst v41;
	v41 =	vsel vm0, v20, v42;
	v42 =	vsel vm1, v27, v35  }
0x182: {  	v43 =	vperm.xlane v40, v11;
	[tilespmem:s13+$0x530] =	vst v41;
	v41 =	vsel vm0, v19, v42;
	v42 =	vsel vm1, v26, v33  }
0x183: {  	[tilespmem:s13+$0x540] =	vst v41;
	v41 =	vsel vm0, v18, v42;
	v42 =	vsel vm1, v23, v32  }
0x184: {  	[tilespmem:s13+$0x550] =	vst v41;
	v41 =	vsel vm0, v17, v42;
	v42 =	vsel vm1, v24, v34;
	vm1 =	veq.s32 v43, $0x1  }
0x185: {  	[tilespmem:s13+$0x560] =	vst v41;
	v41 =	vsel vm0, v16, v42;
	vm0 =	veq.s32 v43, $0x0;
	v42 =	vsel vm1, v31, v39  }
0x186: {  	[tilespmem:s13+$0x570] =	vst v41;
	v41 =	vsel vm0, v25, v42;
	v42 =	vsel vm1, v30, v38  }
0x187: {  	[tilespmem:s13+$0x580] =	vst v41;
	v41 =	vsel vm0, v22, v42;
	v42 =	vsel vm1, v29, v37  }
0x188: {  	[tilespmem:s13+$0x590] =	vst v41;
	v41 =	vsel vm0, v21, v42;
	v42 =	vsel vm1, v28, v36  }
0x189: {  	[tilespmem:s13+$0x5A0] =	vst v41;
	v41 =	vsel vm0, v20, v42;
	v42 =	vsel vm1, v27, v35  }
0x18a: {  	v43 =	vperm.xlane v40, v12;
	[tilespmem:s13+$0x5B0] =	vst v41;
	v41 =	vsel vm0, v19, v42;
	v42 =	vsel vm1, v26, v33  }
0x18b: {  	[tilespmem:s13+$0x5C0] =	vst v41;
	v41 =	vsel vm0, v18, v42;
	v42 =	vsel vm1, v23, v32  }
0x18c: {  	[tilespmem:s13+$0x5D0] =	vst v41;
	v41 =	vsel vm0, v17, v42;
	v42 =	vsel vm1, v24, v34;
	vm1 =	veq.s32 v43, $0x1  }
0x18d: {  	[tilespmem:s13+$0x5E0] =	vst v41;
	v41 =	vsel vm0, v16, v42;
	vm0 =	veq.s32 v43, $0x0;
	v42 =	vsel vm1, v31, v39  }
0x18e: {  	[tilespmem:s13+$0x5F0] =	vst v41;
	v41 =	vsel vm0, v25, v42;
	v42 =	vsel vm1, v30, v38  }
0x18f: {  	[tilespmem:s13+$0x600] =	vst v41;
	v41 =	vsel vm0, v22, v42;
	v42 =	vsel vm1, v29, v37  }
0x190: {  	[tilespmem:s13+$0x610] =	vst v41;
	v41 =	vsel vm0, v21, v42;
	v42 =	vsel vm1, v28, v36  }
0x191: {  	[tilespmem:s13+$0x620] =	vst v41;
	v41 =	vsel vm0, v20, v42;
	v42 =	vsel vm1, v27, v35  }
0x192: {  	v43 =	vperm.xlane v40, v13;
	[tilespmem:s13+$0x630] =	vst v41;
	v41 =	vsel vm0, v19, v42;
	v42 =	vsel vm1, v26, v33  }
0x193: {  	[tilespmem:s13+$0x640] =	vst v41;
	v41 =	vsel vm0, v18, v42;
	v42 =	vsel vm1, v23, v32  }
0x194: {  	[tilespmem:s13+$0x650] =	vst v41;
	v41 =	vsel vm0, v17, v42;
	v42 =	vsel vm1, v24, v34;
	vm1 =	veq.s32 v43, $0x1  }
0x195: {  	[tilespmem:s13+$0x660] =	vst v41;
	v41 =	vsel vm0, v16, v42;
	vm0 =	veq.s32 v43, $0x0;
	v42 =	vsel vm1, v31, v39  }
0x196: {  	[tilespmem:s13+$0x670] =	vst v41;
	v41 =	vsel vm0, v25, v42;
	v42 =	vsel vm1, v30, v38  }
0x197: {  	[tilespmem:s13+$0x680] =	vst v41;
	v41 =	vsel vm0, v22, v42;
	v42 =	vsel vm1, v29, v37  }
0x198: {  	[tilespmem:s13+$0x690] =	vst v41;
	v41 =	vsel vm0, v21, v42;
	v42 =	vsel vm1, v28, v36  }
0x199: {  	[tilespmem:s13+$0x6A0] =	vst v41;
	v41 =	vsel vm0, v20, v42;
	v42 =	vsel vm1, v27, v35  }
0x19a: {  	v43 =	vperm.xlane v40, v14;
	[tilespmem:s13+$0x6B0] =	vst v41;
	v41 =	vsel vm0, v19, v42;
	v42 =	vsel vm1, v26, v33  }
0x19b: {  	[tilespmem:s13+$0x6C0] =	vst v41;
	v41 =	vsel vm0, v18, v42;
	v42 =	vsel vm1, v23, v32  }
0x19c: {  	[tilespmem:s13+$0x6D0] =	vst v41;
	v41 =	vsel vm0, v17, v42;
	v42 =	vsel vm1, v24, v34;
	vm1 =	veq.s32 v43, $0x1  }
0x19d: {  	[tilespmem:s13+$0x6E0] =	vst v41;
	v41 =	vsel vm0, v16, v42;
	vm0 =	veq.s32 v43, $0x0;
	v42 =	vsel vm1, v31, v39  }
0x19e: {  	[tilespmem:s13+$0x6F0] =	vst v41;
	v41 =	vsel vm0, v25, v42;
	v42 =	vsel vm1, v30, v38  }
.Ltmp0:
0x19f: {  	[tilespmem:s13+$0x700] =	vst v41;
	v41 =	vsel vm0, v22, v42;
	v42 =	vsel vm1, v29, v37;
	(pc) =	sbr.rel @p0 .LBB2_2-.Ltmp0, $4  }
0x1a0: {  	[tilespmem:s13+$0x710] =	vst v41;
	v41 =	vsel vm0, v21, v42;
	v42 =	vsel vm1, v28, v36  }
0x1a1: {  	[tilespmem:s13+$0x720] =	vst v41;
	v41 =	vsel vm0, v20, v42;
	v42 =	vsel vm1, v27, v35  }
0x1a2: {  	v43 =	vsel vm1, v26, v33;
	[tilespmem:s13+$0x730] =	vst v41;
	v42 =	vsel vm0, v19, v42;
	v41 =	vperm.xlane v40, v15  }
0x1a3: {  	s16 =	sadd.s32 $0x40, s16;
	v40 =	vsel vm0, v18, v43;
	[tilespmem:s13+$0x740] =	vst v42;
	v42 =	vsel vm1, v23, v32  }
0x1a4: {  	[tilespmem:s13+$0x750] =	vst v40;
	v55 =	vsel vm0, v17, v42;
	v56 =	vsel vm1, v24, v34;
	vm14 =	veq.s32 v41, $0x1  }
0x1a5: {  	vm15 =	veq.s32 v41, $0x0;
	[tilespmem:s13+$0x760] =	vst v55;
	v57 =	vsel vm0, v16, v56;
	v31 =	vsel vm14, v31, v39  }
0x1a6: {  	v30 =	vsel vm14, v30, v38;
	[tilespmem:s13+$0x770] =	vst v57;
	v25 =	vsel vm15, v25, v31  }
0x1a7: {  	v58 =	vsel vm14, v29, v37;
	v22 =	vsel vm15, v22, v30;
	[tilespmem:s13+$0x780] =	vst v25  }
0x1a8: {  	v59 =	vsel vm14, v28, v36;
	v21 =	vsel vm15, v21, v58;
	[tilespmem:s13+$0x790] =	vst v22  }
0x1a9: {  	v60 =	vsel vm14, v27, v35;
	v20 =	vsel vm15, v20, v59;
	[tilespmem:s13+$0x7A0] =	vst v21  }
0x1aa: {  	v61 =	vsel vm14, v26, v33;
	v19 =	vsel vm15, v19, v60;
	[tilespmem:s13+$0x7B0] =	vst v20  }
0x1ab: {  	v62 =	vsel vm14, v23, v32;
	v18 =	vsel vm15, v18, v61;
	[tilespmem:s13+$0x7C0] =	vst v19  }
0x1ac: {  	s12 =	sadd.s32 $0x1, s12;
	v63 =	vsel vm14, v24, v34;
	v17 =	vsel vm15, v17, v62;
	[tilespmem:s13+$0x7D0] =	vst v18  }
0x1ad: {  	p0 =	sne.s32 s12, s5;
	v16 =	vsel vm15, v16, v63;
	[tilespmem:s15+$0x7E0] =	vst v17  }
.Ltmp1:
0x1ae: {  	s31 =	sadd.s32 $0x100, s14;
	[tilespmem:s15+$0x7F0] =	vst v16;
	(pc) =	sbr.rel @p0 .LBB2_1-.Ltmp1, $4  }
0x1af: {  	[hbm4b:s31+s2] =	stream.linear.scatter [tilespmem:s15], [sflag:$0x2], $0x800, $0x38;
	[tilespmem:$0x10380] =	vst v63  }
0x1b0: {  	_ =	swait.ge [sflag:s11], $0x10000  }
0x1b1: {  	[sflag:s11] =	ssyncset.done $0x0  }
0x1b2: {  	[sflag:s11] =	ssyncadd.s32 $0xFFFF0000  }
0x1b3: {  	_ =	sfence.sel $0x180000  }
0x1b4: {  	[bflag:$0x0] =	sbarrier.arrive $0xFFFF  }
0x1b5: {  	p0 =	sne.s32 s3, $0x0;
	_ =	strace $0x90000047  }
0x1b6: {  	s0 =	sadd.s32 @!p0 $0x100000, s0;
	[bflag:$0x2] =	sbarrier.arrive $0xFFFF  }
0x1b7: {  	[sflag:s0] =	ssyncadd.tile.s32 @!p0 $0x1;
	_ =	shalt  }
.Lfunc_end2:
_tile_overlayer_lowered:
.L_overlay_start_2:
0x1b8: {  	(tag) =	ssettag $0x2  }
0x1b9: {  	s0 =	rddreg [dreg:$0x0];
	s2 =	stileid.u32  }
0x1ba: {  	s1 =	rddreg [dreg:$0x1];
	p0 =	sne.s32 s2, $0x0  }
0x1bb: {  	s3 =	rddreg [dreg:$0x2];
	[bflag:$0x3] =	sbarrier.arrive $0xFFFF;
	s2 =	simm.s32 @!p0 $0x1C03  }
0x1bc: {  	[timem:s3], [sflag:s2] =	dma.local @!p0 [hbm:s0], s1  }
0x1bd: {  	s0 =	simm.s32 @!p0 $0x3  }
0x1be: {  	_ =	swait.ge @!p0 [sflag:s0], s1  }
0x1bf: {  	s1 =	ssub.s32 @!p0 $0x0, s1;
	[sflag:s0] =	ssyncset.done @!p0 $0x0  }
0x1c0: {  	[sflag:s0] =	ssyncadd.s32 @!p0 s1  }
0x1c1: {  	[bflag:$0x3] =	sbarrier.arrive $0xFFFF  }
0x1c2: {  	_ =	shalt  }

</sc_bundles>
